<compile_context>
chip_gen: v7x
topology: tpu7x:2x2x1
jax: 0.10.2.dev20260603
libtpu: 0.0.44.dev20260713+nightly
codegen_flags: <defaults>
</compile_context>

<pallas_src>
import functools

import jax
import jax.numpy as jnp
from jax import lax
from jax.experimental import pallas as pl
from jax.experimental.pallas import tpu as pltpu
from jax.experimental.pallas import tpu_sc as plsc

NC = 2
NS = 16
NW = NC * NS

G = 128
KPG = 13


def _make_gather(V, D, B):
  assert B % (G * NW) == 0
  ngrp = B // G
  grp_per_w = ngrp // NW
  assert grp_per_w % (2 * KPG) == 0
  npair = grp_per_w // (2 * KPG)

  mesh = plsc.VectorSubcoreMesh(
      core_axis_name="c", subcore_axis_name="s", num_cores=NC,
      num_subcores=NS)

  @functools.partial(
      pl.kernel,
      out_type=jax.ShapeDtypeStruct((ngrp, G, D), jnp.float32),
      mesh=mesh,
      scratch_types=[
          pltpu.VMEM((grp_per_w, G), jnp.int32),
          pltpu.VMEM((2, KPG, G, D), jnp.float32),
          pltpu.SemaphoreType.DMA,
          pltpu.SemaphoreType.DMA,
          pltpu.SemaphoreType.DMA,
      ],
      compiler_params=pltpu.CompilerParams(use_tc_tiling_on_sc=False),
  )
  def gather_kernel(table_hbm, idx_hbm, out_hbm, idx_v, rows_v, gsem,
                    osem0, osem1):
    wid = lax.axis_index("s") * NC + lax.axis_index("c")
    g0 = wid * grp_per_w
    pltpu.sync_copy(idx_hbm.at[pl.ds(g0, grp_per_w)], idx_v)

    def do_chunk(c, buf, osem, first):
      @pl.when(jnp.logical_not(first))
      def _():
        pltpu.make_async_copy(
            rows_v.at[buf], out_hbm.at[pl.ds(g0, KPG)], osem).wait()
      descs = [
          pltpu.async_copy(
              table_hbm.at[idx_v.at[c * KPG + j]], rows_v.at[buf, j], gsem)
          for j in range(KPG)
      ]
      for d in descs:
        d.wait()
      pltpu.async_copy(
          rows_v.at[buf], out_hbm.at[pl.ds(g0 + c * KPG, KPG)], osem)

    def pair_body(p):
      do_chunk(2 * p, 0, osem0, p == 0)
      do_chunk(2 * p + 1, 1, osem1, p == 0)

    pl.loop(0, npair)(pair_body)

    pltpu.make_async_copy(
        rows_v.at[0], out_hbm.at[pl.ds(g0, KPG)], osem0).wait()
    pltpu.make_async_copy(
        rows_v.at[1], out_hbm.at[pl.ds(g0, KPG)], osem1).wait()

  return gather_kernel


def kernel(x, indices):
  V, D = x.shape
  B = indices.size
  idx2d = indices.reshape(B // G, G)
  out = _make_gather(V, D, B)(x, idx2d)
  return out.reshape(indices.shape + (D,))

# --- scband reference (transcript-rebuilt; emitter-appended) ---
"""Pipeline reference for scband-torch-ops-aten-index-tensor-hacked-twin-module-53987738910933 (READ-ONLY COPY).

The authoritative reference and input builder live on the scoring server;
editing this copy changes nothing except your own understanding.
"""

import jax, jax.numpy as jnp
import numpy as np


def setup_inputs(seed: int = 0) -> dict:
    key = jax.random.key(seed)
    k1, k2 = jax.random.split(key)
    x = jax.random.normal(k1, (1000000, 32), dtype=jnp.float32)
    indices = jax.random.randint(k2, (16384, 26), 0, 1000000, dtype=jnp.int32)
    return {"x": x, "indices": indices}


def reference(x, indices):
    # aten.index.Tensor_hacked_twin with a single index tensor along dim 0
    # is an advanced-indexing gather: x[indices] -> [B, F, D]
    return jnp.take(x, indices, axis=0)

if __name__ == "__main__":
    import jax
    _d = setup_inputs()
    print(jax.jit(kernel)(*tuple(_d.values())))

</pallas_src>

<mosaic_0001>
#map = affine_map<(d0, d1) -> (0, 0)>
#map1 = affine_map<(d0, d1) -> (0, 0, 0)>
module attributes {stable_mosaic.version = 14 : i64} {
  func.func @gather_kernel(%arg0: i32, %arg1: i32, %arg2: memref<1000000x32xf32, #tpu.memory_space<hbm>>, %arg3: memref<3328x128xi32, #tpu.memory_space<hbm>>, %arg4: memref<3328x128x32xf32, #tpu.memory_space<hbm>>, %arg5: memref<104x128xi32, #tpu.memory_space<vmem>>, %arg6: memref<2x13x128x32xf32, #tpu.memory_space<vmem>>, %arg7: memref<!tpu.dma_semaphore, #tpu.memory_space<semaphore_mem>>, %arg8: memref<!tpu.dma_semaphore, #tpu.memory_space<semaphore_mem>>, %arg9: memref<!tpu.dma_semaphore, #tpu.memory_space<semaphore_mem>>) attributes {dimension_semantics = [#tpu.dimension_semantics<core_parallel>, #tpu.dimension_semantics<subcore_parallel>], iteration_bounds = array<i64: 2, 16>, scalar_prefetch = 0 : i64, scratch_operands = 5 : i64, tpu.core_type = #tpu.core_type<sc_vector_subcore>, window_params = [{transform_indices = #map}, {transform_indices = #map}, {transform_indices = #map1}]} {
    %mul3A = arith.constant 2 : i32
    %mul3A_0 = arith.muli %arg1, %mul3A : i32
    %add3A = arith.addi %mul3A_0, %arg0 : i32
    %mul3A_1 = arith.constant 104 : i32
    %mul3A_2 = arith.muli %add3A, %mul3A_1 : i32
    "tpu.region"() ({
      %run_scoped3A = tpu.sem_alloc : memref<!tpu.dma_semaphore, #tpu.memory_space<semaphore_mem>>
      %dma_start3A = arith.constant 0 : i32
      %dma_start3A_40 = tpu.memref_slice %arg3[%mul3A_2, %dma_start3A] : memref<3328x128xi32, #tpu.memory_space<hbm>> -> memref<104x128xi32, #tpu.memory_space<hbm>>
      %dma_start3A_41 = arith.constant 0 : i32
      %dma_start3A_42 = tpu.memref_slice %arg3[%mul3A_2, %dma_start3A_41] : memref<3328x128xi32, #tpu.memory_space<hbm>> -> memref<104x128xi32, #tpu.memory_space<hbm>>
      tpu.enqueue_dma source(%dma_start3A_42 : memref<104x128xi32, #tpu.memory_space<hbm>>) target(%arg5 : memref<104x128xi32, #tpu.memory_space<vmem>>) target_semaphore(%run_scoped3A : memref<!tpu.dma_semaphore, #tpu.memory_space<semaphore_mem>>)
      %dma_wait3A_43 = arith.constant 0 : i32
      %dma_wait3A_44 = tpu.memref_slice %arg3[%mul3A_2, %dma_wait3A_43] : memref<3328x128xi32, #tpu.memory_space<hbm>> -> memref<104x128xi32, #tpu.memory_space<hbm>>
      %dma_wait3A_45 = arith.constant 0 : i32
      %dma_wait3A_46 = tpu.memref_slice %arg3[%mul3A_2, %dma_wait3A_45] : memref<3328x128xi32, #tpu.memory_space<hbm>> -> memref<104x128xi32, #tpu.memory_space<hbm>>
      tpu.wait_dma2 semaphore(%run_scoped3A : memref<!tpu.dma_semaphore, #tpu.memory_space<semaphore_mem>>) src(%dma_wait3A_46 : memref<104x128xi32, #tpu.memory_space<hbm>>) dst(%arg5 : memref<104x128xi32, #tpu.memory_space<vmem>>)
      tpu.yield
    }) : () -> ()
    %scan3A = arith.constant 0 : i32
    %scan3A_3 = arith.constant 4 : i32
    %scan3A_4 = arith.addi %scan3A, %scan3A_3 : i32
    %scan3A_5 = arith.constant 1 : i32
    scf.for %scan3A_40 = %scan3A to %scan3A_4 step %scan3A_5  : i32 {
      %mul3A_41 = arith.constant 1 : i32
      %mul3A_42 = arith.muli %scan3A_40, %mul3A_41 : i32
      %add3A_43 = arith.constant 0 : i32
      %add3A_44 = arith.addi %add3A_43, %mul3A_42 : i32
      %mul3A_45 = arith.constant 2 : i32
      %mul3A_46 = arith.muli %mul3A_45, %add3A_44 : i32
      %eq3A = arith.constant 0 : i32
      %eq3A_47 = arith.cmpi eq, %add3A_44, %eq3A : i32
      %not3A = arith.constant true
      %not3A_48 = arith.xori %eq3A_47, %not3A : i1
      %convert_element_type3A = arith.extui %not3A_48 : i1 to i32
      %cond3A = arith.constant 0 : i32
      %cond3A_49 = arith.cmpi ne, %convert_element_type3A, %cond3A : i32
      scf.if %cond3A_49 {
        %dma_wait3A_828 = arith.constant 0 : i32
        %dma_wait3A_829 = arith.constant 0 : i32
        %dma_wait3A_830 = arith.constant 0 : i32
        %dma_wait3A_831 = arith.constant 0 : i32
        %dma_wait3A_832 = tpu.memref_slice %arg6[%dma_wait3A_828, %dma_wait3A_829, %dma_wait3A_830, %dma_wait3A_831] : memref<2x13x128x32xf32, #tpu.memory_space<vmem>> -> memref<1x13x128x32xf32, #tpu.memory_space<vmem>>
        %dma_wait3A_833 = tpu.memref_squeeze %dma_wait3A_832 : memref<1x13x128x32xf32, #tpu.memory_space<vmem>> -> memref<13x128x32xf32, #tpu.memory_space<vmem>>
        %dma_wait3A_834 = arith.constant 0 : i32
        %dma_wait3A_835 = arith.constant 0 : i32
        %dma_wait3A_836 = tpu.memref_slice %arg4[%mul3A_2, %dma_wait3A_834, %dma_wait3A_835] : memref<3328x128x32xf32, #tpu.memory_space<hbm>> -> memref<13x128x32xf32, #tpu.memory_space<hbm>>
        %dma_wait3A_837 = arith.constant 0 : i32
        %dma_wait3A_838 = arith.constant 0 : i32
        %dma_wait3A_839 = tpu.memref_slice %arg4[%mul3A_2, %dma_wait3A_837, %dma_wait3A_838] : memref<3328x128x32xf32, #tpu.memory_space<hbm>> -> memref<13x128x32xf32, #tpu.memory_space<hbm>>
        %dma_wait3A_840 = arith.constant 0 : i32
        %dma_wait3A_841 = arith.constant 0 : i32
        %dma_wait3A_842 = arith.constant 0 : i32
        %dma_wait3A_843 = tpu.memref_slice %arg6[%dma_wait3A_828, %dma_wait3A_840, %dma_wait3A_841, %dma_wait3A_842] : memref<2x13x128x32xf32, #tpu.memory_space<vmem>> -> memref<1x13x128x32xf32, #tpu.memory_space<vmem>>
        %dma_wait3A_844 = tpu.memref_squeeze %dma_wait3A_843 : memref<1x13x128x32xf32, #tpu.memory_space<vmem>> -> memref<13x128x32xf32, #tpu.memory_space<vmem>>
        tpu.wait_dma2 semaphore(%arg8 : memref<!tpu.dma_semaphore, #tpu.memory_space<semaphore_mem>>) src(%dma_wait3A_844 : memref<13x128x32xf32, #tpu.memory_space<vmem>>) dst(%dma_wait3A_839 : memref<13x128x32xf32, #tpu.memory_space<hbm>>)
      } else {
      }
      %mul3A_50 = arith.constant 13 : i32
      %mul3A_51 = arith.muli %mul3A_46, %mul3A_50 : i32
      %add3A_52 = arith.constant 0 : i32
      %add3A_53 = arith.addi %mul3A_51, %add3A_52 : i32
      %dma_start3A = arith.constant 0 : i32
      %dma_start3A_54 = arith.constant 0 : i32
      %dma_start3A_55 = arith.constant 0 : i32
      %dma_start3A_56 = arith.constant 0 : i32
      %dma_start3A_57 = tpu.memref_slice %arg6[%dma_start3A, %dma_start3A_54, %dma_start3A_55, %dma_start3A_56] : memref<2x13x128x32xf32, #tpu.memory_space<vmem>> -> memref<1x1x128x32xf32, #tpu.memory_space<vmem>>
      %dma_start3A_58 = tpu.memref_squeeze %dma_start3A_57 : memref<1x1x128x32xf32, #tpu.memory_space<vmem>> -> memref<128x32xf32, #tpu.memory_space<vmem>>
      %dma_start3A_59 = arith.constant 0 : i32
      %dma_start3A_60 = tpu.memref_slice %arg5[%add3A_53, %dma_start3A_59] : memref<104x128xi32, #tpu.memory_space<vmem>> -> memref<1x128xi32, #tpu.memory_space<vmem>>
      %dma_start3A_61 = tpu.memref_squeeze %dma_start3A_60 : memref<1x128xi32, #tpu.memory_space<vmem>> -> memref<128xi32, #tpu.memory_space<vmem>>
      %dma_start3A_62 = arith.constant 0 : i32
      %dma_start3A_63 = arith.constant 0 : i32
      %dma_start3A_64 = tpu.memref_slice %arg2[%dma_start3A_62, %dma_start3A_63] : memref<1000000x32xf32, #tpu.memory_space<hbm>> -> memref<1000000x32xf32, #tpu.memory_space<hbm>>
      tpu.enqueue_indirect_dma source(%dma_start3A_64 : memref<1000000x32xf32, #tpu.memory_space<hbm>>) target(%dma_start3A_58 : memref<128x32xf32, #tpu.memory_space<vmem>>) offsets(%dma_start3A_61 : memref<128xi32, #tpu.memory_space<vmem>>) semaphore(%arg7 : memref<!tpu.dma_semaphore, #tpu.memory_space<semaphore_mem>>)
      %mul3A_65 = arith.constant 13 : i32
      %mul3A_66 = arith.muli %mul3A_46, %mul3A_65 : i32
      %add3A_67 = arith.constant 1 : i32
      %add3A_68 = arith.addi %mul3A_66, %add3A_67 : i32
      %dma_start3A_69 = arith.constant 0 : i32
      %dma_start3A_70 = arith.constant 1 : i32
      %dma_start3A_71 = arith.constant 0 : i32
      %dma_start3A_72 = arith.constant 0 : i32
      %dma_start3A_73 = tpu.memref_slice %arg6[%dma_start3A_69, %dma_start3A_70, %dma_start3A_71, %dma_start3A_72] : memref<2x13x128x32xf32, #tpu.memory_space<vmem>> -> memref<1x1x128x32xf32, #tpu.memory_space<vmem>>
      %dma_start3A_74 = tpu.memref_squeeze %dma_start3A_73 : memref<1x1x128x32xf32, #tpu.memory_space<vmem>> -> memref<128x32xf32, #tpu.memory_space<vmem>>
      %dma_start3A_75 = arith.constant 0 : i32
      %dma_start3A_76 = tpu.memref_slice %arg5[%add3A_68, %dma_start3A_75] : memref<104x128xi32, #tpu.memory_space<vmem>> -> memref<1x128xi32, #tpu.memory_space<vmem>>
      %dma_start3A_77 = tpu.memref_squeeze %dma_start3A_76 : memref<1x128xi32, #tpu.memory_space<vmem>> -> memref<128xi32, #tpu.memory_space<vmem>>
      %dma_start3A_78 = arith.constant 0 : i32
      %dma_start3A_79 = arith.constant 0 : i32
      %dma_start3A_80 = tpu.memref_slice %arg2[%dma_start3A_78, %dma_start3A_79] : memref<1000000x32xf32, #tpu.memory_space<hbm>> -> memref<1000000x32xf32, #tpu.memory_space<hbm>>
      tpu.enqueue_indirect_dma source(%dma_start3A_80 : memref<1000000x32xf32, #tpu.memory_space<hbm>>) target(%dma_start3A_74 : memref<128x32xf32, #tpu.memory_space<vmem>>) offsets(%dma_start3A_77 : memref<128xi32, #tpu.memory_space<vmem>>) semaphore(%arg7 : memref<!tpu.dma_semaphore, #tpu.memory_space<semaphore_mem>>)
      %mul3A_81 = arith.constant 13 : i32
      %mul3A_82 = arith.muli %mul3A_46, %mul3A_81 : i32
      %add3A_83 = arith.constant 2 : i32
      %add3A_84 = arith.addi %mul3A_82, %add3A_83 : i32
      %dma_start3A_85 = arith.constant 0 : i32
      %dma_start3A_86 = arith.constant 2 : i32
      %dma_start3A_87 = arith.constant 0 : i32
      %dma_start3A_88 = arith.constant 0 : i32
      %dma_start3A_89 = tpu.memref_slice %arg6[%dma_start3A_85, %dma_start3A_86, %dma_start3A_87, %dma_start3A_88] : memref<2x13x128x32xf32, #tpu.memory_space<vmem>> -> memref<1x1x128x32xf32, #tpu.memory_space<vmem>>
      %dma_start3A_90 = tpu.memref_squeeze %dma_start3A_89 : memref<1x1x128x32xf32, #tpu.memory_space<vmem>> -> memref<128x32xf32, #tpu.memory_space<vmem>>
      %dma_start3A_91 = arith.constant 0 : i32
      %dma_start3A_92 = tpu.memref_slice %arg5[%add3A_84, %dma_start3A_91] : memref<104x128xi32, #tpu.memory_space<vmem>> -> memref<1x128xi32, #tpu.memory_space<vmem>>
      %dma_start3A_93 = tpu.memref_squeeze %dma_start3A_92 : memref<1x128xi32, #tpu.memory_space<vmem>> -> memref<128xi32, #tpu.memory_space<vmem>>
      %dma_start3A_94 = arith.constant 0 : i32
      %dma_start3A_95 = arith.constant 0 : i32
      %dma_start3A_96 = tpu.memref_slice %arg2[%dma_start3A_94, %dma_start3A_95] : memref<1000000x32xf32, #tpu.memory_space<hbm>> -> memref<1000000x32xf32, #tpu.memory_space<hbm>>
      tpu.enqueue_indirect_dma source(%dma_start3A_96 : memref<1000000x32xf32, #tpu.memory_space<hbm>>) target(%dma_start3A_90 : memref<128x32xf32, #tpu.memory_space<vmem>>) offsets(%dma_start3A_93 : memref<128xi32, #tpu.memory_space<vmem>>) semaphore(%arg7 : memref<!tpu.dma_semaphore, #tpu.memory_space<semaphore_mem>>)
      %mul3A_97 = arith.constant 13 : i32
      %mul3A_98 = arith.muli %mul3A_46, %mul3A_97 : i32
      %add3A_99 = arith.constant 3 : i32
      %add3A_100 = arith.addi %mul3A_98, %add3A_99 : i32
      %dma_start3A_101 = arith.constant 0 : i32
      %dma_start3A_102 = arith.constant 3 : i32
      %dma_start3A_103 = arith.constant 0 : i32
      %dma_start3A_104 = arith.constant 0 : i32
      %dma_start3A_105 = tpu.memref_slice %arg6[%dma_start3A_101, %dma_start3A_102, %dma_start3A_103, %dma_start3A_104] : memref<2x13x128x32xf32, #tpu.memory_space<vmem>> -> memref<1x1x128x32xf32, #tpu.memory_space<vmem>>
      %dma_start3A_106 = tpu.memref_squeeze %dma_start3A_105 : memref<1x1x128x32xf32, #tpu.memory_space<vmem>> -> memref<128x32xf32, #tpu.memory_space<vmem>>
      %dma_start3A_107 = arith.constant 0 : i32
      %dma_start3A_108 = tpu.memref_slice %arg5[%add3A_100, %dma_start3A_107] : memref<104x128xi32, #tpu.memory_space<vmem>> -> memref<1x128xi32, #tpu.memory_space<vmem>>
      %dma_start3A_109 = tpu.memref_squeeze %dma_start3A_108 : memref<1x128xi32, #tpu.memory_space<vmem>> -> memref<128xi32, #tpu.memory_space<vmem>>
      %dma_start3A_110 = arith.constant 0 : i32
      %dma_start3A_111 = arith.constant 0 : i32
      %dma_start3A_112 = tpu.memref_slice %arg2[%dma_start3A_110, %dma_start3A_111] : memref<1000000x32xf32, #tpu.memory_space<hbm>> -> memref<1000000x32xf32, #tpu.memory_space<hbm>>
      tpu.enqueue_indirect_dma source(%dma_start3A_112 : memref<1000000x32xf32, #tpu.memory_space<hbm>>) target(%dma_start3A_106 : memref<128x32xf32, #tpu.memory_space<vmem>>) offsets(%dma_start3A_109 : memref<128xi32, #tpu.memory_space<vmem>>) semaphore(%arg7 : memref<!tpu.dma_semaphore, #tpu.memory_space<semaphore_mem>>)
      %mul3A_113 = arith.constant 13 : i32
      %mul3A_114 = arith.muli %mul3A_46, %mul3A_113 : i32
      %add3A_115 = arith.constant 4 : i32
      %add3A_116 = arith.addi %mul3A_114, %add3A_115 : i32
      %dma_start3A_117 = arith.constant 0 : i32
      %dma_start3A_118 = arith.constant 4 : i32
      %dma_start3A_119 = arith.constant 0 : i32
      %dma_start3A_120 = arith.constant 0 : i32
      %dma_start3A_121 = tpu.memref_slice %arg6[%dma_start3A_117, %dma_start3A_118, %dma_start3A_119, %dma_start3A_120] : memref<2x13x128x32xf32, #tpu.memory_space<vmem>> -> memref<1x1x128x32xf32, #tpu.memory_space<vmem>>
      %dma_start3A_122 = tpu.memref_squeeze %dma_start3A_121 : memref<1x1x128x32xf32, #tpu.memory_space<vmem>> -> memref<128x32xf32, #tpu.memory_space<vmem>>
      %dma_start3A_123 = arith.constant 0 : i32
      %dma_start3A_124 = tpu.memref_slice %arg5[%add3A_116, %dma_start3A_123] : memref<104x128xi32, #tpu.memory_space<vmem>> -> memref<1x128xi32, #tpu.memory_space<vmem>>
      %dma_start3A_125 = tpu.memref_squeeze %dma_start3A_124 : memref<1x128xi32, #tpu.memory_space<vmem>> -> memref<128xi32, #tpu.memory_space<vmem>>
      %dma_start3A_126 = arith.constant 0 : i32
      %dma_start3A_127 = arith.constant 0 : i32
      %dma_start3A_128 = tpu.memref_slice %arg2[%dma_start3A_126, %dma_start3A_127] : memref<1000000x32xf32, #tpu.memory_space<hbm>> -> memref<1000000x32xf32, #tpu.memory_space<hbm>>
      tpu.enqueue_indirect_dma source(%dma_start3A_128 : memref<1000000x32xf32, #tpu.memory_space<hbm>>) target(%dma_start3A_122 : memref<128x32xf32, #tpu.memory_space<vmem>>) offsets(%dma_start3A_125 : memref<128xi32, #tpu.memory_space<vmem>>) semaphore(%arg7 : memref<!tpu.dma_semaphore, #tpu.memory_space<semaphore_mem>>)
      %mul3A_129 = arith.constant 13 : i32
      %mul3A_130 = arith.muli %mul3A_46, %mul3A_129 : i32
      %add3A_131 = arith.constant 5 : i32
      %add3A_132 = arith.addi %mul3A_130, %add3A_131 : i32
      %dma_start3A_133 = arith.constant 0 : i32
      %dma_start3A_134 = arith.constant 5 : i32
      %dma_start3A_135 = arith.constant 0 : i32
      %dma_start3A_136 = arith.constant 0 : i32
      %dma_start3A_137 = tpu.memref_slice %arg6[%dma_start3A_133, %dma_start3A_134, %dma_start3A_135, %dma_start3A_136] : memref<2x13x128x32xf32, #tpu.memory_space<vmem>> -> memref<1x1x128x32xf32, #tpu.memory_space<vmem>>
      %dma_start3A_138 = tpu.memref_squeeze %dma_start3A_137 : memref<1x1x128x32xf32, #tpu.memory_space<vmem>> -> memref<128x32xf32, #tpu.memory_space<vmem>>
      %dma_start3A_139 = arith.constant 0 : i32
      %dma_start3A_140 = tpu.memref_slice %arg5[%add3A_132, %dma_start3A_139] : memref<104x128xi32, #tpu.memory_space<vmem>> -> memref<1x128xi32, #tpu.memory_space<vmem>>
      %dma_start3A_141 = tpu.memref_squeeze %dma_start3A_140 : memref<1x128xi32, #tpu.memory_space<vmem>> -> memref<128xi32, #tpu.memory_space<vmem>>
      %dma_start3A_142 = arith.constant 0 : i32
      %dma_start3A_143 = arith.constant 0 : i32
      %dma_start3A_144 = tpu.memref_slice %arg2[%dma_start3A_142, %dma_start3A_143] : memref<1000000x32xf32, #tpu.memory_space<hbm>> -> memref<1000000x32xf32, #tpu.memory_space<hbm>>
      tpu.enqueue_indirect_dma source(%dma_start3A_144 : memref<1000000x32xf32, #tpu.memory_space<hbm>>) target(%dma_start3A_138 : memref<128x32xf32, #tpu.memory_space<vmem>>) offsets(%dma_start3A_141 : memref<128xi32, #tpu.memory_space<vmem>>) semaphore(%arg7 : memref<!tpu.dma_semaphore, #tpu.memory_space<semaphore_mem>>)
      %mul3A_145 = arith.constant 13 : i32
      %mul3A_146 = arith.muli %mul3A_46, %mul3A_145 : i32
      %add3A_147 = arith.constant 6 : i32
      %add3A_148 = arith.addi %mul3A_146, %add3A_147 : i32
      %dma_start3A_149 = arith.constant 0 : i32
      %dma_start3A_150 = arith.constant 6 : i32
      %dma_start3A_151 = arith.constant 0 : i32
      %dma_start3A_152 = arith.constant 0 : i32
      %dma_start3A_153 = tpu.memref_slice %arg6[%dma_start3A_149, %dma_start3A_150, %dma_start3A_151, %dma_start3A_152] : memref<2x13x128x32xf32, #tpu.memory_space<vmem>> -> memref<1x1x128x32xf32, #tpu.memory_space<vmem>>
      %dma_start3A_154 = tpu.memref_squeeze %dma_start3A_153 : memref<1x1x128x32xf32, #tpu.memory_space<vmem>> -> memref<128x32xf32, #tpu.memory_space<vmem>>
      %dma_start3A_155 = arith.constant 0 : i32
      %dma_start3A_156 = tpu.memref_slice %arg5[%add3A_148, %dma_start3A_155] : memref<104x128xi32, #tpu.memory_space<vmem>> -> memref<1x128xi32, #tpu.memory_space<vmem>>
      %dma_start3A_157 = tpu.memref_squeeze %dma_start3A_156 : memref<1x128xi32, #tpu.memory_space<vmem>> -> memref<128xi32, #tpu.memory_space<vmem>>
      %dma_start3A_158 = arith.constant 0 : i32
      %dma_start3A_159 = arith.constant 0 : i32
      %dma_start3A_160 = tpu.memref_slice %arg2[%dma_start3A_158, %dma_start3A_159] : memref<1000000x32xf32, #tpu.memory_space<hbm>> -> memref<1000000x32xf32, #tpu.memory_space<hbm>>
      tpu.enqueue_indirect_dma source(%dma_start3A_160 : memref<1000000x32xf32, #tpu.memory_space<hbm>>) target(%dma_start3A_154 : memref<128x32xf32, #tpu.memory_space<vmem>>) offsets(%dma_start3A_157 : memref<128xi32, #tpu.memory_space<vmem>>) semaphore(%arg7 : memref<!tpu.dma_semaphore, #tpu.memory_space<semaphore_mem>>)
      %mul3A_161 = arith.constant 13 : i32
      %mul3A_162 = arith.muli %mul3A_46, %mul3A_161 : i32
      %add3A_163 = arith.constant 7 : i32
      %add3A_164 = arith.addi %mul3A_162, %add3A_163 : i32
      %dma_start3A_165 = arith.constant 0 : i32
      %dma_start3A_166 = arith.constant 7 : i32
      %dma_start3A_167 = arith.constant 0 : i32
      %dma_start3A_168 = arith.constant 0 : i32
      %dma_start3A_169 = tpu.memref_slice %arg6[%dma_start3A_165, %dma_start3A_166, %dma_start3A_167, %dma_start3A_168] : memref<2x13x128x32xf32, #tpu.memory_space<vmem>> -> memref<1x1x128x32xf32, #tpu.memory_space<vmem>>
      %dma_start3A_170 = tpu.memref_squeeze %dma_start3A_169 : memref<1x1x128x32xf32, #tpu.memory_space<vmem>> -> memref<128x32xf32, #tpu.memory_space<vmem>>
      %dma_start3A_171 = arith.constant 0 : i32
      %dma_start3A_172 = tpu.memref_slice %arg5[%add3A_164, %dma_start3A_171] : memref<104x128xi32, #tpu.memory_space<vmem>> -> memref<1x128xi32, #tpu.memory_space<vmem>>
      %dma_start3A_173 = tpu.memref_squeeze %dma_start3A_172 : memref<1x128xi32, #tpu.memory_space<vmem>> -> memref<128xi32, #tpu.memory_space<vmem>>
      %dma_start3A_174 = arith.constant 0 : i32
      %dma_start3A_175 = arith.constant 0 : i32
      %dma_start3A_176 = tpu.memref_slice %arg2[%dma_start3A_174, %dma_start3A_175] : memref<1000000x32xf32, #tpu.memory_space<hbm>> -> memref<1000000x32xf32, #tpu.memory_space<hbm>>
      tpu.enqueue_indirect_dma source(%dma_start3A_176 : memref<1000000x32xf32, #tpu.memory_space<hbm>>) target(%dma_start3A_170 : memref<128x32xf32, #tpu.memory_space<vmem>>) offsets(%dma_start3A_173 : memref<128xi32, #tpu.memory_space<vmem>>) semaphore(%arg7 : memref<!tpu.dma_semaphore, #tpu.memory_space<semaphore_mem>>)
      %mul3A_177 = arith.constant 13 : i32
      %mul3A_178 = arith.muli %mul3A_46, %mul3A_177 : i32
      %add3A_179 = arith.constant 8 : i32
      %add3A_180 = arith.addi %mul3A_178, %add3A_179 : i32
      %dma_start3A_181 = arith.constant 0 : i32
      %dma_start3A_182 = arith.constant 8 : i32
      %dma_start3A_183 = arith.constant 0 : i32
      %dma_start3A_184 = arith.constant 0 : i32
      %dma_start3A_185 = tpu.memref_slice %arg6[%dma_start3A_181, %dma_start3A_182, %dma_start3A_183, %dma_start3A_184] : memref<2x13x128x32xf32, #tpu.memory_space<vmem>> -> memref<1x1x128x32xf32, #tpu.memory_space<vmem>>
      %dma_start3A_186 = tpu.memref_squeeze %dma_start3A_185 : memref<1x1x128x32xf32, #tpu.memory_space<vmem>> -> memref<128x32xf32, #tpu.memory_space<vmem>>
      %dma_start3A_187 = arith.constant 0 : i32
      %dma_start3A_188 = tpu.memref_slice %arg5[%add3A_180, %dma_start3A_187] : memref<104x128xi32, #tpu.memory_space<vmem>> -> memref<1x128xi32, #tpu.memory_space<vmem>>
      %dma_start3A_189 = tpu.memref_squeeze %dma_start3A_188 : memref<1x128xi32, #tpu.memory_space<vmem>> -> memref<128xi32, #tpu.memory_space<vmem>>
      %dma_start3A_190 = arith.constant 0 : i32
      %dma_start3A_191 = arith.constant 0 : i32
      %dma_start3A_192 = tpu.memref_slice %arg2[%dma_start3A_190, %dma_start3A_191] : memref<1000000x32xf32, #tpu.memory_space<hbm>> -> memref<1000000x32xf32, #tpu.memory_space<hbm>>
      tpu.enqueue_indirect_dma source(%dma_start3A_192 : memref<1000000x32xf32, #tpu.memory_space<hbm>>) target(%dma_start3A_186 : memref<128x32xf32, #tpu.memory_space<vmem>>) offsets(%dma_start3A_189 : memref<128xi32, #tpu.memory_space<vmem>>) semaphore(%arg7 : memref<!tpu.dma_semaphore, #tpu.memory_space<semaphore_mem>>)
      %mul3A_193 = arith.constant 13 : i32
      %mul3A_194 = arith.muli %mul3A_46, %mul3A_193 : i32
      %add3A_195 = arith.constant 9 : i32
      %add3A_196 = arith.addi %mul3A_194, %add3A_195 : i32
      %dma_start3A_197 = arith.constant 0 : i32
      %dma_start3A_198 = arith.constant 9 : i32
      %dma_start3A_199 = arith.constant 0 : i32
      %dma_start3A_200 = arith.constant 0 : i32
      %dma_start3A_201 = tpu.memref_slice %arg6[%dma_start3A_197, %dma_start3A_198, %dma_start3A_199, %dma_start3A_200] : memref<2x13x128x32xf32, #tpu.memory_space<vmem>> -> memref<1x1x128x32xf32, #tpu.memory_space<vmem>>
      %dma_start3A_202 = tpu.memref_squeeze %dma_start3A_201 : memref<1x1x128x32xf32, #tpu.memory_space<vmem>> -> memref<128x32xf32, #tpu.memory_space<vmem>>
      %dma_start3A_203 = arith.constant 0 : i32
      %dma_start3A_204 = tpu.memref_slice %arg5[%add3A_196, %dma_start3A_203] : memref<104x128xi32, #tpu.memory_space<vmem>> -> memref<1x128xi32, #tpu.memory_space<vmem>>
      %dma_start3A_205 = tpu.memref_squeeze %dma_start3A_204 : memref<1x128xi32, #tpu.memory_space<vmem>> -> memref<128xi32, #tpu.memory_space<vmem>>
      %dma_start3A_206 = arith.constant 0 : i32
      %dma_start3A_207 = arith.constant 0 : i32
      %dma_start3A_208 = tpu.memref_slice %arg2[%dma_start3A_206, %dma_start3A_207] : memref<1000000x32xf32, #tpu.memory_space<hbm>> -> memref<1000000x32xf32, #tpu.memory_space<hbm>>
      tpu.enqueue_indirect_dma source(%dma_start3A_208 : memref<1000000x32xf32, #tpu.memory_space<hbm>>) target(%dma_start3A_202 : memref<128x32xf32, #tpu.memory_space<vmem>>) offsets(%dma_start3A_205 : memref<128xi32, #tpu.memory_space<vmem>>) semaphore(%arg7 : memref<!tpu.dma_semaphore, #tpu.memory_space<semaphore_mem>>)
      %mul3A_209 = arith.constant 13 : i32
      %mul3A_210 = arith.muli %mul3A_46, %mul3A_209 : i32
      %add3A_211 = arith.constant 10 : i32
      %add3A_212 = arith.addi %mul3A_210, %add3A_211 : i32
      %dma_start3A_213 = arith.constant 0 : i32
      %dma_start3A_214 = arith.constant 10 : i32
      %dma_start3A_215 = arith.constant 0 : i32
      %dma_start3A_216 = arith.constant 0 : i32
      %dma_start3A_217 = tpu.memref_slice %arg6[%dma_start3A_213, %dma_start3A_214, %dma_start3A_215, %dma_start3A_216] : memref<2x13x128x32xf32, #tpu.memory_space<vmem>> -> memref<1x1x128x32xf32, #tpu.memory_space<vmem>>
      %dma_start3A_218 = tpu.memref_squeeze %dma_start3A_217 : memref<1x1x128x32xf32, #tpu.memory_space<vmem>> -> memref<128x32xf32, #tpu.memory_space<vmem>>
      %dma_start3A_219 = arith.constant 0 : i32
      %dma_start3A_220 = tpu.memref_slice %arg5[%add3A_212, %dma_start3A_219] : memref<104x128xi32, #tpu.memory_space<vmem>> -> memref<1x128xi32, #tpu.memory_space<vmem>>
      %dma_start3A_221 = tpu.memref_squeeze %dma_start3A_220 : memref<1x128xi32, #tpu.memory_space<vmem>> -> memref<128xi32, #tpu.memory_space<vmem>>
      %dma_start3A_222 = arith.constant 0 : i32
      %dma_start3A_223 = arith.constant 0 : i32
      %dma_start3A_224 = tpu.memref_slice %arg2[%dma_start3A_222, %dma_start3A_223] : memref<1000000x32xf32, #tpu.memory_space<hbm>> -> memref<1000000x32xf32, #tpu.memory_space<hbm>>
      tpu.enqueue_indirect_dma source(%dma_start3A_224 : memref<1000000x32xf32, #tpu.memory_space<hbm>>) target(%dma_start3A_218 : memref<128x32xf32, #tpu.memory_space<vmem>>) offsets(%dma_start3A_221 : memref<128xi32, #tpu.memory_space<vmem>>) semaphore(%arg7 : memref<!tpu.dma_semaphore, #tpu.memory_space<semaphore_mem>>)
      %mul3A_225 = arith.constant 13 : i32
      %mul3A_226 = arith.muli %mul3A_46, %mul3A_225 : i32
      %add3A_227 = arith.constant 11 : i32
      %add3A_228 = arith.addi %mul3A_226, %add3A_227 : i32
      %dma_start3A_229 = arith.constant 0 : i32
      %dma_start3A_230 = arith.constant 11 : i32
      %dma_start3A_231 = arith.constant 0 : i32
      %dma_start3A_232 = arith.constant 0 : i32
      %dma_start3A_233 = tpu.memref_slice %arg6[%dma_start3A_229, %dma_start3A_230, %dma_start3A_231, %dma_start3A_232] : memref<2x13x128x32xf32, #tpu.memory_space<vmem>> -> memref<1x1x128x32xf32, #tpu.memory_space<vmem>>
      %dma_start3A_234 = tpu.memref_squeeze %dma_start3A_233 : memref<1x1x128x32xf32, #tpu.memory_space<vmem>> -> memref<128x32xf32, #tpu.memory_space<vmem>>
      %dma_start3A_235 = arith.constant 0 : i32
      %dma_start3A_236 = tpu.memref_slice %arg5[%add3A_228, %dma_start3A_235] : memref<104x128xi32, #tpu.memory_space<vmem>> -> memref<1x128xi32, #tpu.memory_space<vmem>>
      %dma_start3A_237 = tpu.memref_squeeze %dma_start3A_236 : memref<1x128xi32, #tpu.memory_space<vmem>> -> memref<128xi32, #tpu.memory_space<vmem>>
      %dma_start3A_238 = arith.constant 0 : i32
      %dma_start3A_239 = arith.constant 0 : i32
      %dma_start3A_240 = tpu.memref_slice %arg2[%dma_start3A_238, %dma_start3A_239] : memref<1000000x32xf32, #tpu.memory_space<hbm>> -> memref<1000000x32xf32, #tpu.memory_space<hbm>>
      tpu.enqueue_indirect_dma source(%dma_start3A_240 : memref<1000000x32xf32, #tpu.memory_space<hbm>>) target(%dma_start3A_234 : memref<128x32xf32, #tpu.memory_space<vmem>>) offsets(%dma_start3A_237 : memref<128xi32, #tpu.memory_space<vmem>>) semaphore(%arg7 : memref<!tpu.dma_semaphore, #tpu.memory_space<semaphore_mem>>)
      %mul3A_241 = arith.constant 13 : i32
      %mul3A_242 = arith.muli %mul3A_46, %mul3A_241 : i32
      %add3A_243 = arith.constant 12 : i32
      %add3A_244 = arith.addi %mul3A_242, %add3A_243 : i32
      %dma_start3A_245 = arith.constant 0 : i32
      %dma_start3A_246 = arith.constant 12 : i32
      %dma_start3A_247 = arith.constant 0 : i32
      %dma_start3A_248 = arith.constant 0 : i32
      %dma_start3A_249 = tpu.memref_slice %arg6[%dma_start3A_245, %dma_start3A_246, %dma_start3A_247, %dma_start3A_248] : memref<2x13x128x32xf32, #tpu.memory_space<vmem>> -> memref<1x1x128x32xf32, #tpu.memory_space<vmem>>
      %dma_start3A_250 = tpu.memref_squeeze %dma_start3A_249 : memref<1x1x128x32xf32, #tpu.memory_space<vmem>> -> memref<128x32xf32, #tpu.memory_space<vmem>>
      %dma_start3A_251 = arith.constant 0 : i32
      %dma_start3A_252 = tpu.memref_slice %arg5[%add3A_244, %dma_start3A_251] : memref<104x128xi32, #tpu.memory_space<vmem>> -> memref<1x128xi32, #tpu.memory_space<vmem>>
      %dma_start3A_253 = tpu.memref_squeeze %dma_start3A_252 : memref<1x128xi32, #tpu.memory_space<vmem>> -> memref<128xi32, #tpu.memory_space<vmem>>
      %dma_start3A_254 = arith.constant 0 : i32
      %dma_start3A_255 = arith.constant 0 : i32
      %dma_start3A_256 = tpu.memref_slice %arg2[%dma_start3A_254, %dma_start3A_255] : memref<1000000x32xf32, #tpu.memory_space<hbm>> -> memref<1000000x32xf32, #tpu.memory_space<hbm>>
      tpu.enqueue_indirect_dma source(%dma_start3A_256 : memref<1000000x32xf32, #tpu.memory_space<hbm>>) target(%dma_start3A_250 : memref<128x32xf32, #tpu.memory_space<vmem>>) offsets(%dma_start3A_253 : memref<128xi32, #tpu.memory_space<vmem>>) semaphore(%arg7 : memref<!tpu.dma_semaphore, #tpu.memory_space<semaphore_mem>>)
      %dma_wait3A_257 = arith.constant 0 : i32
      %dma_wait3A_258 = arith.constant 0 : i32
      %dma_wait3A_259 = arith.constant 0 : i32
      %dma_wait3A_260 = arith.constant 0 : i32
      %dma_wait3A_261 = tpu.memref_slice %arg6[%dma_wait3A_257, %dma_wait3A_258, %dma_wait3A_259, %dma_wait3A_260] : memref<2x13x128x32xf32, #tpu.memory_space<vmem>> -> memref<1x1x128x32xf32, #tpu.memory_space<vmem>>
      %dma_wait3A_262 = tpu.memref_squeeze %dma_wait3A_261 : memref<1x1x128x32xf32, #tpu.memory_space<vmem>> -> memref<128x32xf32, #tpu.memory_space<vmem>>
      %dma_wait3A_263 = arith.constant 0 : i32
      %dma_wait3A_264 = tpu.memref_slice %arg5[%add3A_53, %dma_wait3A_263] : memref<104x128xi32, #tpu.memory_space<vmem>> -> memref<1x128xi32, #tpu.memory_space<vmem>>
      %dma_wait3A_265 = tpu.memref_squeeze %dma_wait3A_264 : memref<1x128xi32, #tpu.memory_space<vmem>> -> memref<128xi32, #tpu.memory_space<vmem>>
      %dma_wait3A_266 = arith.constant 0 : i32
      %dma_wait3A_267 = arith.constant 0 : i32
      %dma_wait3A_268 = tpu.memref_slice %arg2[%dma_wait3A_266, %dma_wait3A_267] : memref<1000000x32xf32, #tpu.memory_space<hbm>> -> memref<1000000x32xf32, #tpu.memory_space<hbm>>
      tpu.wait_indirect_dma semaphore(%arg7 : memref<!tpu.dma_semaphore, #tpu.memory_space<semaphore_mem>>) src(%dma_wait3A_268 : memref<1000000x32xf32, #tpu.memory_space<hbm>>) dst(%dma_wait3A_262 : memref<128x32xf32, #tpu.memory_space<vmem>>)
      %dma_wait3A_269 = arith.constant 0 : i32
      %dma_wait3A_270 = arith.constant 1 : i32
      %dma_wait3A_271 = arith.constant 0 : i32
      %dma_wait3A_272 = arith.constant 0 : i32
      %dma_wait3A_273 = tpu.memref_slice %arg6[%dma_wait3A_269, %dma_wait3A_270, %dma_wait3A_271, %dma_wait3A_272] : memref<2x13x128x32xf32, #tpu.memory_space<vmem>> -> memref<1x1x128x32xf32, #tpu.memory_space<vmem>>
      %dma_wait3A_274 = tpu.memref_squeeze %dma_wait3A_273 : memref<1x1x128x32xf32, #tpu.memory_space<vmem>> -> memref<128x32xf32, #tpu.memory_space<vmem>>
      %dma_wait3A_275 = arith.constant 0 : i32
      %dma_wait3A_276 = tpu.memref_slice %arg5[%add3A_68, %dma_wait3A_275] : memref<104x128xi32, #tpu.memory_space<vmem>> -> memref<1x128xi32, #tpu.memory_space<vmem>>
      %dma_wait3A_277 = tpu.memref_squeeze %dma_wait3A_276 : memref<1x128xi32, #tpu.memory_space<vmem>> -> memref<128xi32, #tpu.memory_space<vmem>>
      %dma_wait3A_278 = arith.constant 0 : i32
      %dma_wait3A_279 = arith.constant 0 : i32
      %dma_wait3A_280 = tpu.memref_slice %arg2[%dma_wait3A_278, %dma_wait3A_279] : memref<1000000x32xf32, #tpu.memory_space<hbm>> -> memref<1000000x32xf32, #tpu.memory_space<hbm>>
      tpu.wait_indirect_dma semaphore(%arg7 : memref<!tpu.dma_semaphore, #tpu.memory_space<semaphore_mem>>) src(%dma_wait3A_280 : memref<1000000x32xf32, #tpu.memory_space<hbm>>) dst(%dma_wait3A_274 : memref<128x32xf32, #tpu.memory_space<vmem>>)
      %dma_wait3A_281 = arith.constant 0 : i32
      %dma_wait3A_282 = arith.constant 2 : i32
      %dma_wait3A_283 = arith.constant 0 : i32
      %dma_wait3A_284 = arith.constant 0 : i32
      %dma_wait3A_285 = tpu.memref_slice %arg6[%dma_wait3A_281, %dma_wait3A_282, %dma_wait3A_283, %dma_wait3A_284] : memref<2x13x128x32xf32, #tpu.memory_space<vmem>> -> memref<1x1x128x32xf32, #tpu.memory_space<vmem>>
      %dma_wait3A_286 = tpu.memref_squeeze %dma_wait3A_285 : memref<1x1x128x32xf32, #tpu.memory_space<vmem>> -> memref<128x32xf32, #tpu.memory_space<vmem>>
      %dma_wait3A_287 = arith.constant 0 : i32
      %dma_wait3A_288 = tpu.memref_slice %arg5[%add3A_84, %dma_wait3A_287] : memref<104x128xi32, #tpu.memory_space<vmem>> -> memref<1x128xi32, #tpu.memory_space<vmem>>
      %dma_wait3A_289 = tpu.memref_squeeze %dma_wait3A_288 : memref<1x128xi32, #tpu.memory_space<vmem>> -> memref<128xi32, #tpu.memory_space<vmem>>
      %dma_wait3A_290 = arith.constant 0 : i32
      %dma_wait3A_291 = arith.constant 0 : i32
      %dma_wait3A_292 = tpu.memref_slice %arg2[%dma_wait3A_290, %dma_wait3A_291] : memref<1000000x32xf32, #tpu.memory_space<hbm>> -> memref<1000000x32xf32, #tpu.memory_space<hbm>>
      tpu.wait_indirect_dma semaphore(%arg7 : memref<!tpu.dma_semaphore, #tpu.memory_space<semaphore_mem>>) src(%dma_wait3A_292 : memref<1000000x32xf32, #tpu.memory_space<hbm>>) dst(%dma_wait3A_286 : memref<128x32xf32, #tpu.memory_space<vmem>>)
      %dma_wait3A_293 = arith.constant 0 : i32
      %dma_wait3A_294 = arith.constant 3 : i32
      %dma_wait3A_295 = arith.constant 0 : i32
      %dma_wait3A_296 = arith.constant 0 : i32
      %dma_wait3A_297 = tpu.memref_slice %arg6[%dma_wait3A_293, %dma_wait3A_294, %dma_wait3A_295, %dma_wait3A_296] : memref<2x13x128x32xf32, #tpu.memory_space<vmem>> -> memref<1x1x128x32xf32, #tpu.memory_space<vmem>>
      %dma_wait3A_298 = tpu.memref_squeeze %dma_wait3A_297 : memref<1x1x128x32xf32, #tpu.memory_space<vmem>> -> memref<128x32xf32, #tpu.memory_space<vmem>>
      %dma_wait3A_299 = arith.constant 0 : i32
      %dma_wait3A_300 = tpu.memref_slice %arg5[%add3A_100, %dma_wait3A_299] : memref<104x128xi32, #tpu.memory_space<vmem>> -> memref<1x128xi32, #tpu.memory_space<vmem>>
      %dma_wait3A_301 = tpu.memref_squeeze %dma_wait3A_300 : memref<1x128xi32, #tpu.memory_space<vmem>> -> memref<128xi32, #tpu.memory_space<vmem>>
      %dma_wait3A_302 = arith.constant 0 : i32
      %dma_wait3A_303 = arith.constant 0 : i32
      %dma_wait3A_304 = tpu.memref_slice %arg2[%dma_wait3A_302, %dma_wait3A_303] : memref<1000000x32xf32, #tpu.memory_space<hbm>> -> memref<1000000x32xf32, #tpu.memory_space<hbm>>
      tpu.wait_indirect_dma semaphore(%arg7 : memref<!tpu.dma_semaphore, #tpu.memory_space<semaphore_mem>>) src(%dma_wait3A_304 : memref<1000000x32xf32, #tpu.memory_space<hbm>>) dst(%dma_wait3A_298 : memref<128x32xf32, #tpu.memory_space<vmem>>)
      %dma_wait3A_305 = arith.constant 0 : i32
      %dma_wait3A_306 = arith.constant 4 : i32
      %dma_wait3A_307 = arith.constant 0 : i32
      %dma_wait3A_308 = arith.constant 0 : i32
      %dma_wait3A_309 = tpu.memref_slice %arg6[%dma_wait3A_305, %dma_wait3A_306, %dma_wait3A_307, %dma_wait3A_308] : memref<2x13x128x32xf32, #tpu.memory_space<vmem>> -> memref<1x1x128x32xf32, #tpu.memory_space<vmem>>
      %dma_wait3A_310 = tpu.memref_squeeze %dma_wait3A_309 : memref<1x1x128x32xf32, #tpu.memory_space<vmem>> -> memref<128x32xf32, #tpu.memory_space<vmem>>
      %dma_wait3A_311 = arith.constant 0 : i32
      %dma_wait3A_312 = tpu.memref_slice %arg5[%add3A_116, %dma_wait3A_311] : memref<104x128xi32, #tpu.memory_space<vmem>> -> memref<1x128xi32, #tpu.memory_space<vmem>>
      %dma_wait3A_313 = tpu.memref_squeeze %dma_wait3A_312 : memref<1x128xi32, #tpu.memory_space<vmem>> -> memref<128xi32, #tpu.memory_space<vmem>>
      %dma_wait3A_314 = arith.constant 0 : i32
      %dma_wait3A_315 = arith.constant 0 : i32
      %dma_wait3A_316 = tpu.memref_slice %arg2[%dma_wait3A_314, %dma_wait3A_315] : memref<1000000x32xf32, #tpu.memory_space<hbm>> -> memref<1000000x32xf32, #tpu.memory_space<hbm>>
      tpu.wait_indirect_dma semaphore(%arg7 : memref<!tpu.dma_semaphore, #tpu.memory_space<semaphore_mem>>) src(%dma_wait3A_316 : memref<1000000x32xf32, #tpu.memory_space<hbm>>) dst(%dma_wait3A_310 : memref<128x32xf32, #tpu.memory_space<vmem>>)
      %dma_wait3A_317 = arith.constant 0 : i32
      %dma_wait3A_318 = arith.constant 5 : i32
      %dma_wait3A_319 = arith.constant 0 : i32
      %dma_wait3A_320 = arith.constant 0 : i32
      %dma_wait3A_321 = tpu.memref_slice %arg6[%dma_wait3A_317, %dma_wait3A_318, %dma_wait3A_319, %dma_wait3A_320] : memref<2x13x128x32xf32, #tpu.memory_space<vmem>> -> memref<1x1x128x32xf32, #tpu.memory_space<vmem>>
      %dma_wait3A_322 = tpu.memref_squeeze %dma_wait3A_321 : memref<1x1x128x32xf32, #tpu.memory_space<vmem>> -> memref<128x32xf32, #tpu.memory_space<vmem>>
      %dma_wait3A_323 = arith.constant 0 : i32
      %dma_wait3A_324 = tpu.memref_slice %arg5[%add3A_132, %dma_wait3A_323] : memref<104x128xi32, #tpu.memory_space<vmem>> -> memref<1x128xi32, #tpu.memory_space<vmem>>
      %dma_wait3A_325 = tpu.memref_squeeze %dma_wait3A_324 : memref<1x128xi32, #tpu.memory_space<vmem>> -> memref<128xi32, #tpu.memory_space<vmem>>
      %dma_wait3A_326 = arith.constant 0 : i32
      %dma_wait3A_327 = arith.constant 0 : i32
      %dma_wait3A_328 = tpu.memref_slice %arg2[%dma_wait3A_326, %dma_wait3A_327] : memref<1000000x32xf32, #tpu.memory_space<hbm>> -> memref<1000000x32xf32, #tpu.memory_space<hbm>>
      tpu.wait_indirect_dma semaphore(%arg7 : memref<!tpu.dma_semaphore, #tpu.memory_space<semaphore_mem>>) src(%dma_wait3A_328 : memref<1000000x32xf32, #tpu.memory_space<hbm>>) dst(%dma_wait3A_322 : memref<128x32xf32, #tpu.memory_space<vmem>>)
      %dma_wait3A_329 = arith.constant 0 : i32
      %dma_wait3A_330 = arith.constant 6 : i32
      %dma_wait3A_331 = arith.constant 0 : i32
      %dma_wait3A_332 = arith.constant 0 : i32
      %dma_wait3A_333 = tpu.memref_slice %arg6[%dma_wait3A_329, %dma_wait3A_330, %dma_wait3A_331, %dma_wait3A_332] : memref<2x13x128x32xf32, #tpu.memory_space<vmem>> -> memref<1x1x128x32xf32, #tpu.memory_space<vmem>>
      %dma_wait3A_334 = tpu.memref_squeeze %dma_wait3A_333 : memref<1x1x128x32xf32, #tpu.memory_space<vmem>> -> memref<128x32xf32, #tpu.memory_space<vmem>>
      %dma_wait3A_335 = arith.constant 0 : i32
      %dma_wait3A_336 = tpu.memref_slice %arg5[%add3A_148, %dma_wait3A_335] : memref<104x128xi32, #tpu.memory_space<vmem>> -> memref<1x128xi32, #tpu.memory_space<vmem>>
      %dma_wait3A_337 = tpu.memref_squeeze %dma_wait3A_336 : memref<1x128xi32, #tpu.memory_space<vmem>> -> memref<128xi32, #tpu.memory_space<vmem>>
      %dma_wait3A_338 = arith.constant 0 : i32
      %dma_wait3A_339 = arith.constant 0 : i32
      %dma_wait3A_340 = tpu.memref_slice %arg2[%dma_wait3A_338, %dma_wait3A_339] : memref<1000000x32xf32, #tpu.memory_space<hbm>> -> memref<1000000x32xf32, #tpu.memory_space<hbm>>
      tpu.wait_indirect_dma semaphore(%arg7 : memref<!tpu.dma_semaphore, #tpu.memory_space<semaphore_mem>>) src(%dma_wait3A_340 : memref<1000000x32xf32, #tpu.memory_space<hbm>>) dst(%dma_wait3A_334 : memref<128x32xf32, #tpu.memory_space<vmem>>)
      %dma_wait3A_341 = arith.constant 0 : i32
      %dma_wait3A_342 = arith.constant 7 : i32
      %dma_wait3A_343 = arith.constant 0 : i32
      %dma_wait3A_344 = arith.constant 0 : i32
      %dma_wait3A_345 = tpu.memref_slice %arg6[%dma_wait3A_341, %dma_wait3A_342, %dma_wait3A_343, %dma_wait3A_344] : memref<2x13x128x32xf32, #tpu.memory_space<vmem>> -> memref<1x1x128x32xf32, #tpu.memory_space<vmem>>
      %dma_wait3A_346 = tpu.memref_squeeze %dma_wait3A_345 : memref<1x1x128x32xf32, #tpu.memory_space<vmem>> -> memref<128x32xf32, #tpu.memory_space<vmem>>
      %dma_wait3A_347 = arith.constant 0 : i32
      %dma_wait3A_348 = tpu.memref_slice %arg5[%add3A_164, %dma_wait3A_347] : memref<104x128xi32, #tpu.memory_space<vmem>> -> memref<1x128xi32, #tpu.memory_space<vmem>>
      %dma_wait3A_349 = tpu.memref_squeeze %dma_wait3A_348 : memref<1x128xi32, #tpu.memory_space<vmem>> -> memref<128xi32, #tpu.memory_space<vmem>>
      %dma_wait3A_350 = arith.constant 0 : i32
      %dma_wait3A_351 = arith.constant 0 : i32
      %dma_wait3A_352 = tpu.memref_slice %arg2[%dma_wait3A_350, %dma_wait3A_351] : memref<1000000x32xf32, #tpu.memory_space<hbm>> -> memref<1000000x32xf32, #tpu.memory_space<hbm>>
      tpu.wait_indirect_dma semaphore(%arg7 : memref<!tpu.dma_semaphore, #tpu.memory_space<semaphore_mem>>) src(%dma_wait3A_352 : memref<1000000x32xf32, #tpu.memory_space<hbm>>) dst(%dma_wait3A_346 : memref<128x32xf32, #tpu.memory_space<vmem>>)
      %dma_wait3A_353 = arith.constant 0 : i32
      %dma_wait3A_354 = arith.constant 8 : i32
      %dma_wait3A_355 = arith.constant 0 : i32
      %dma_wait3A_356 = arith.constant 0 : i32
      %dma_wait3A_357 = tpu.memref_slice %arg6[%dma_wait3A_353, %dma_wait3A_354, %dma_wait3A_355, %dma_wait3A_356] : memref<2x13x128x32xf32, #tpu.memory_space<vmem>> -> memref<1x1x128x32xf32, #tpu.memory_space<vmem>>
      %dma_wait3A_358 = tpu.memref_squeeze %dma_wait3A_357 : memref<1x1x128x32xf32, #tpu.memory_space<vmem>> -> memref<128x32xf32, #tpu.memory_space<vmem>>
      %dma_wait3A_359 = arith.constant 0 : i32
      %dma_wait3A_360 = tpu.memref_slice %arg5[%add3A_180, %dma_wait3A_359] : memref<104x128xi32, #tpu.memory_space<vmem>> -> memref<1x128xi32, #tpu.memory_space<vmem>>
      %dma_wait3A_361 = tpu.memref_squeeze %dma_wait3A_360 : memref<1x128xi32, #tpu.memory_space<vmem>> -> memref<128xi32, #tpu.memory_space<vmem>>
      %dma_wait3A_362 = arith.constant 0 : i32
      %dma_wait3A_363 = arith.constant 0 : i32
      %dma_wait3A_364 = tpu.memref_slice %arg2[%dma_wait3A_362, %dma_wait3A_363] : memref<1000000x32xf32, #tpu.memory_space<hbm>> -> memref<1000000x32xf32, #tpu.memory_space<hbm>>
      tpu.wait_indirect_dma semaphore(%arg7 : memref<!tpu.dma_semaphore, #tpu.memory_space<semaphore_mem>>) src(%dma_wait3A_364 : memref<1000000x32xf32, #tpu.memory_space<hbm>>) dst(%dma_wait3A_358 : memref<128x32xf32, #tpu.memory_space<vmem>>)
      %dma_wait3A_365 = arith.constant 0 : i32
      %dma_wait3A_366 = arith.constant 9 : i32
      %dma_wait3A_367 = arith.constant 0 : i32
      %dma_wait3A_368 = arith.constant 0 : i32
      %dma_wait3A_369 = tpu.memref_slice %arg6[%dma_wait3A_365, %dma_wait3A_366, %dma_wait3A_367, %dma_wait3A_368] : memref<2x13x128x32xf32, #tpu.memory_space<vmem>> -> memref<1x1x128x32xf32, #tpu.memory_space<vmem>>
      %dma_wait3A_370 = tpu.memref_squeeze %dma_wait3A_369 : memref<1x1x128x32xf32, #tpu.memory_space<vmem>> -> memref<128x32xf32, #tpu.memory_space<vmem>>
      %dma_wait3A_371 = arith.constant 0 : i32
      %dma_wait3A_372 = tpu.memref_slice %arg5[%add3A_196, %dma_wait3A_371] : memref<104x128xi32, #tpu.memory_space<vmem>> -> memref<1x128xi32, #tpu.memory_space<vmem>>
      %dma_wait3A_373 = tpu.memref_squeeze %dma_wait3A_372 : memref<1x128xi32, #tpu.memory_space<vmem>> -> memref<128xi32, #tpu.memory_space<vmem>>
      %dma_wait3A_374 = arith.constant 0 : i32
      %dma_wait3A_375 = arith.constant 0 : i32
      %dma_wait3A_376 = tpu.memref_slice %arg2[%dma_wait3A_374, %dma_wait3A_375] : memref<1000000x32xf32, #tpu.memory_space<hbm>> -> memref<1000000x32xf32, #tpu.memory_space<hbm>>
      tpu.wait_indirect_dma semaphore(%arg7 : memref<!tpu.dma_semaphore, #tpu.memory_space<semaphore_mem>>) src(%dma_wait3A_376 : memref<1000000x32xf32, #tpu.memory_space<hbm>>) dst(%dma_wait3A_370 : memref<128x32xf32, #tpu.memory_space<vmem>>)
      %dma_wait3A_377 = arith.constant 0 : i32
      %dma_wait3A_378 = arith.constant 10 : i32
      %dma_wait3A_379 = arith.constant 0 : i32
      %dma_wait3A_380 = arith.constant 0 : i32
      %dma_wait3A_381 = tpu.memref_slice %arg6[%dma_wait3A_377, %dma_wait3A_378, %dma_wait3A_379, %dma_wait3A_380] : memref<2x13x128x32xf32, #tpu.memory_space<vmem>> -> memref<1x1x128x32xf32, #tpu.memory_space<vmem>>
      %dma_wait3A_382 = tpu.memref_squeeze %dma_wait3A_381 : memref<1x1x128x32xf32, #tpu.memory_space<vmem>> -> memref<128x32xf32, #tpu.memory_space<vmem>>
      %dma_wait3A_383 = arith.constant 0 : i32
      %dma_wait3A_384 = tpu.memref_slice %arg5[%add3A_212, %dma_wait3A_383] : memref<104x128xi32, #tpu.memory_space<vmem>> -> memref<1x128xi32, #tpu.memory_space<vmem>>
      %dma_wait3A_385 = tpu.memref_squeeze %dma_wait3A_384 : memref<1x128xi32, #tpu.memory_space<vmem>> -> memref<128xi32, #tpu.memory_space<vmem>>
      %dma_wait3A_386 = arith.constant 0 : i32
      %dma_wait3A_387 = arith.constant 0 : i32
      %dma_wait3A_388 = tpu.memref_slice %arg2[%dma_wait3A_386, %dma_wait3A_387] : memref<1000000x32xf32, #tpu.memory_space<hbm>> -> memref<1000000x32xf32, #tpu.memory_space<hbm>>
      tpu.wait_indirect_dma semaphore(%arg7 : memref<!tpu.dma_semaphore, #tpu.memory_space<semaphore_mem>>) src(%dma_wait3A_388 : memref<1000000x32xf32, #tpu.memory_space<hbm>>) dst(%dma_wait3A_382 : memref<128x32xf32, #tpu.memory_space<vmem>>)
      %dma_wait3A_389 = arith.constant 0 : i32
      %dma_wait3A_390 = arith.constant 11 : i32
      %dma_wait3A_391 = arith.constant 0 : i32
      %dma_wait3A_392 = arith.constant 0 : i32
      %dma_wait3A_393 = tpu.memref_slice %arg6[%dma_wait3A_389, %dma_wait3A_390, %dma_wait3A_391, %dma_wait3A_392] : memref<2x13x128x32xf32, #tpu.memory_space<vmem>> -> memref<1x1x128x32xf32, #tpu.memory_space<vmem>>
      %dma_wait3A_394 = tpu.memref_squeeze %dma_wait3A_393 : memref<1x1x128x32xf32, #tpu.memory_space<vmem>> -> memref<128x32xf32, #tpu.memory_space<vmem>>
      %dma_wait3A_395 = arith.constant 0 : i32
      %dma_wait3A_396 = tpu.memref_slice %arg5[%add3A_228, %dma_wait3A_395] : memref<104x128xi32, #tpu.memory_space<vmem>> -> memref<1x128xi32, #tpu.memory_space<vmem>>
      %dma_wait3A_397 = tpu.memref_squeeze %dma_wait3A_396 : memref<1x128xi32, #tpu.memory_space<vmem>> -> memref<128xi32, #tpu.memory_space<vmem>>
      %dma_wait3A_398 = arith.constant 0 : i32
      %dma_wait3A_399 = arith.constant 0 : i32
      %dma_wait3A_400 = tpu.memref_slice %arg2[%dma_wait3A_398, %dma_wait3A_399] : memref<1000000x32xf32, #tpu.memory_space<hbm>> -> memref<1000000x32xf32, #tpu.memory_space<hbm>>
      tpu.wait_indirect_dma semaphore(%arg7 : memref<!tpu.dma_semaphore, #tpu.memory_space<semaphore_mem>>) src(%dma_wait3A_400 : memref<1000000x32xf32, #tpu.memory_space<hbm>>) dst(%dma_wait3A_394 : memref<128x32xf32, #tpu.memory_space<vmem>>)
      %dma_wait3A_401 = arith.constant 0 : i32
      %dma_wait3A_402 = arith.constant 12 : i32
      %dma_wait3A_403 = arith.constant 0 : i32
      %dma_wait3A_404 = arith.constant 0 : i32
      %dma_wait3A_405 = tpu.memref_slice %arg6[%dma_wait3A_401, %dma_wait3A_402, %dma_wait3A_403, %dma_wait3A_404] : memref<2x13x128x32xf32, #tpu.memory_space<vmem>> -> memref<1x1x128x32xf32, #tpu.memory_space<vmem>>
      %dma_wait3A_406 = tpu.memref_squeeze %dma_wait3A_405 : memref<1x1x128x32xf32, #tpu.memory_space<vmem>> -> memref<128x32xf32, #tpu.memory_space<vmem>>
      %dma_wait3A_407 = arith.constant 0 : i32
      %dma_wait3A_408 = tpu.memref_slice %arg5[%add3A_244, %dma_wait3A_407] : memref<104x128xi32, #tpu.memory_space<vmem>> -> memref<1x128xi32, #tpu.memory_space<vmem>>
      %dma_wait3A_409 = tpu.memref_squeeze %dma_wait3A_408 : memref<1x128xi32, #tpu.memory_space<vmem>> -> memref<128xi32, #tpu.memory_space<vmem>>
      %dma_wait3A_410 = arith.constant 0 : i32
      %dma_wait3A_411 = arith.constant 0 : i32
      %dma_wait3A_412 = tpu.memref_slice %arg2[%dma_wait3A_410, %dma_wait3A_411] : memref<1000000x32xf32, #tpu.memory_space<hbm>> -> memref<1000000x32xf32, #tpu.memory_space<hbm>>
      tpu.wait_indirect_dma semaphore(%arg7 : memref<!tpu.dma_semaphore, #tpu.memory_space<semaphore_mem>>) src(%dma_wait3A_412 : memref<1000000x32xf32, #tpu.memory_space<hbm>>) dst(%dma_wait3A_406 : memref<128x32xf32, #tpu.memory_space<vmem>>)
      %mul3A_413 = arith.constant 13 : i32
      %mul3A_414 = arith.muli %mul3A_46, %mul3A_413 : i32
      %add3A_415 = arith.addi %mul3A_2, %mul3A_414 : i32
      %dma_start3A_416 = arith.constant 0 : i32
      %dma_start3A_417 = arith.constant 0 : i32
      %dma_start3A_418 = arith.constant 0 : i32
      %dma_start3A_419 = arith.constant 0 : i32
      %dma_start3A_420 = tpu.memref_slice %arg6[%dma_start3A_416, %dma_start3A_417, %dma_start3A_418, %dma_start3A_419] : memref<2x13x128x32xf32, #tpu.memory_space<vmem>> -> memref<1x13x128x32xf32, #tpu.memory_space<vmem>>
      %dma_start3A_421 = tpu.memref_squeeze %dma_start3A_420 : memref<1x13x128x32xf32, #tpu.memory_space<vmem>> -> memref<13x128x32xf32, #tpu.memory_space<vmem>>
      %dma_start3A_422 = arith.constant 0 : i32
      %dma_start3A_423 = arith.constant 0 : i32
      %dma_start3A_424 = tpu.memref_slice %arg4[%add3A_415, %dma_start3A_422, %dma_start3A_423] : memref<3328x128x32xf32, #tpu.memory_space<hbm>> -> memref<13x128x32xf32, #tpu.memory_space<hbm>>
      %dma_start3A_425 = arith.constant 0 : i32
      %dma_start3A_426 = arith.constant 0 : i32
      %dma_start3A_427 = tpu.memref_slice %arg4[%add3A_415, %dma_start3A_425, %dma_start3A_426] : memref<3328x128x32xf32, #tpu.memory_space<hbm>> -> memref<13x128x32xf32, #tpu.memory_space<hbm>>
      %dma_start3A_428 = arith.constant 0 : i32
      %dma_start3A_429 = arith.constant 0 : i32
      %dma_start3A_430 = arith.constant 0 : i32
      %dma_start3A_431 = tpu.memref_slice %arg6[%dma_start3A_416, %dma_start3A_428, %dma_start3A_429, %dma_start3A_430] : memref<2x13x128x32xf32, #tpu.memory_space<vmem>> -> memref<1x13x128x32xf32, #tpu.memory_space<vmem>>
      %dma_start3A_432 = tpu.memref_squeeze %dma_start3A_431 : memref<1x13x128x32xf32, #tpu.memory_space<vmem>> -> memref<13x128x32xf32, #tpu.memory_space<vmem>>
      tpu.enqueue_dma source(%dma_start3A_432 : memref<13x128x32xf32, #tpu.memory_space<vmem>>) target(%dma_start3A_427 : memref<13x128x32xf32, #tpu.memory_space<hbm>>) target_semaphore(%arg8 : memref<!tpu.dma_semaphore, #tpu.memory_space<semaphore_mem>>)
      %mul3A_433 = arith.constant 2 : i32
      %mul3A_434 = arith.muli %mul3A_433, %add3A_44 : i32
      %add3A_435 = arith.constant 1 : i32
      %add3A_436 = arith.addi %mul3A_434, %add3A_435 : i32
      %eq3A_437 = arith.constant 0 : i32
      %eq3A_438 = arith.cmpi eq, %add3A_44, %eq3A_437 : i32
      %not3A_439 = arith.constant true
      %not3A_440 = arith.xori %eq3A_438, %not3A_439 : i1
      %convert_element_type3A_441 = arith.extui %not3A_440 : i1 to i32
      %cond3A_442 = arith.constant 0 : i32
      %cond3A_443 = arith.cmpi ne, %convert_element_type3A_441, %cond3A_442 : i32
      scf.if %cond3A_443 {
        %dma_wait3A_828 = arith.constant 1 : i32
        %dma_wait3A_829 = arith.constant 0 : i32
        %dma_wait3A_830 = arith.constant 0 : i32
        %dma_wait3A_831 = arith.constant 0 : i32
        %dma_wait3A_832 = tpu.memref_slice %arg6[%dma_wait3A_828, %dma_wait3A_829, %dma_wait3A_830, %dma_wait3A_831] : memref<2x13x128x32xf32, #tpu.memory_space<vmem>> -> memref<1x13x128x32xf32, #tpu.memory_space<vmem>>
        %dma_wait3A_833 = tpu.memref_squeeze %dma_wait3A_832 : memref<1x13x128x32xf32, #tpu.memory_space<vmem>> -> memref<13x128x32xf32, #tpu.memory_space<vmem>>
        %dma_wait3A_834 = arith.constant 0 : i32
        %dma_wait3A_835 = arith.constant 0 : i32
        %dma_wait3A_836 = tpu.memref_slice %arg4[%mul3A_2, %dma_wait3A_834, %dma_wait3A_835] : memref<3328x128x32xf32, #tpu.memory_space<hbm>> -> memref<13x128x32xf32, #tpu.memory_space<hbm>>
        %dma_wait3A_837 = arith.constant 0 : i32
        %dma_wait3A_838 = arith.constant 0 : i32
        %dma_wait3A_839 = tpu.memref_slice %arg4[%mul3A_2, %dma_wait3A_837, %dma_wait3A_838] : memref<3328x128x32xf32, #tpu.memory_space<hbm>> -> memref<13x128x32xf32, #tpu.memory_space<hbm>>
        %dma_wait3A_840 = arith.constant 0 : i32
        %dma_wait3A_841 = arith.constant 0 : i32
        %dma_wait3A_842 = arith.constant 0 : i32
        %dma_wait3A_843 = tpu.memref_slice %arg6[%dma_wait3A_828, %dma_wait3A_840, %dma_wait3A_841, %dma_wait3A_842] : memref<2x13x128x32xf32, #tpu.memory_space<vmem>> -> memref<1x13x128x32xf32, #tpu.memory_space<vmem>>
        %dma_wait3A_844 = tpu.memref_squeeze %dma_wait3A_843 : memref<1x13x128x32xf32, #tpu.memory_space<vmem>> -> memref<13x128x32xf32, #tpu.memory_space<vmem>>
        tpu.wait_dma2 semaphore(%arg9 : memref<!tpu.dma_semaphore, #tpu.memory_space<semaphore_mem>>) src(%dma_wait3A_844 : memref<13x128x32xf32, #tpu.memory_space<vmem>>) dst(%dma_wait3A_839 : memref<13x128x32xf32, #tpu.memory_space<hbm>>)
      } else {
      }
      %mul3A_444 = arith.constant 13 : i32
      %mul3A_445 = arith.muli %add3A_436, %mul3A_444 : i32
      %add3A_446 = arith.constant 0 : i32
      %add3A_447 = arith.addi %mul3A_445, %add3A_446 : i32
      %dma_start3A_448 = arith.constant 1 : i32
      %dma_start3A_449 = arith.constant 0 : i32
      %dma_start3A_450 = arith.constant 0 : i32
      %dma_start3A_451 = arith.constant 0 : i32
      %dma_start3A_452 = tpu.memref_slice %arg6[%dma_start3A_448, %dma_start3A_449, %dma_start3A_450, %dma_start3A_451] : memref<2x13x128x32xf32, #tpu.memory_space<vmem>> -> memref<1x1x128x32xf32, #tpu.memory_space<vmem>>
      %dma_start3A_453 = tpu.memref_squeeze %dma_start3A_452 : memref<1x1x128x32xf32, #tpu.memory_space<vmem>> -> memref<128x32xf32, #tpu.memory_space<vmem>>
      %dma_start3A_454 = arith.constant 0 : i32
      %dma_start3A_455 = tpu.memref_slice %arg5[%add3A_447, %dma_start3A_454] : memref<104x128xi32, #tpu.memory_space<vmem>> -> memref<1x128xi32, #tpu.memory_space<vmem>>
      %dma_start3A_456 = tpu.memref_squeeze %dma_start3A_455 : memref<1x128xi32, #tpu.memory_space<vmem>> -> memref<128xi32, #tpu.memory_space<vmem>>
      %dma_start3A_457 = arith.constant 0 : i32
      %dma_start3A_458 = arith.constant 0 : i32
      %dma_start3A_459 = tpu.memref_slice %arg2[%dma_start3A_457, %dma_start3A_458] : memref<1000000x32xf32, #tpu.memory_space<hbm>> -> memref<1000000x32xf32, #tpu.memory_space<hbm>>
      tpu.enqueue_indirect_dma source(%dma_start3A_459 : memref<1000000x32xf32, #tpu.memory_space<hbm>>) target(%dma_start3A_453 : memref<128x32xf32, #tpu.memory_space<vmem>>) offsets(%dma_start3A_456 : memref<128xi32, #tpu.memory_space<vmem>>) semaphore(%arg7 : memref<!tpu.dma_semaphore, #tpu.memory_space<semaphore_mem>>)
      %mul3A_460 = arith.constant 13 : i32
      %mul3A_461 = arith.muli %add3A_436, %mul3A_460 : i32
      %add3A_462 = arith.constant 1 : i32
      %add3A_463 = arith.addi %mul3A_461, %add3A_462 : i32
      %dma_start3A_464 = arith.constant 1 : i32
      %dma_start3A_465 = arith.constant 1 : i32
      %dma_start3A_466 = arith.constant 0 : i32
      %dma_start3A_467 = arith.constant 0 : i32
      %dma_start3A_468 = tpu.memref_slice %arg6[%dma_start3A_464, %dma_start3A_465, %dma_start3A_466, %dma_start3A_467] : memref<2x13x128x32xf32, #tpu.memory_space<vmem>> -> memref<1x1x128x32xf32, #tpu.memory_space<vmem>>
      %dma_start3A_469 = tpu.memref_squeeze %dma_start3A_468 : memref<1x1x128x32xf32, #tpu.memory_space<vmem>> -> memref<128x32xf32, #tpu.memory_space<vmem>>
      %dma_start3A_470 = arith.constant 0 : i32
      %dma_start3A_471 = tpu.memref_slice %arg5[%add3A_463, %dma_start3A_470] : memref<104x128xi32, #tpu.memory_space<vmem>> -> memref<1x128xi32, #tpu.memory_space<vmem>>
      %dma_start3A_472 = tpu.memref_squeeze %dma_start3A_471 : memref<1x128xi32, #tpu.memory_space<vmem>> -> memref<128xi32, #tpu.memory_space<vmem>>
      %dma_start3A_473 = arith.constant 0 : i32
      %dma_start3A_474 = arith.constant 0 : i32
      %dma_start3A_475 = tpu.memref_slice %arg2[%dma_start3A_473, %dma_start3A_474] : memref<1000000x32xf32, #tpu.memory_space<hbm>> -> memref<1000000x32xf32, #tpu.memory_space<hbm>>
      tpu.enqueue_indirect_dma source(%dma_start3A_475 : memref<1000000x32xf32, #tpu.memory_space<hbm>>) target(%dma_start3A_469 : memref<128x32xf32, #tpu.memory_space<vmem>>) offsets(%dma_start3A_472 : memref<128xi32, #tpu.memory_space<vmem>>) semaphore(%arg7 : memref<!tpu.dma_semaphore, #tpu.memory_space<semaphore_mem>>)
      %mul3A_476 = arith.constant 13 : i32
      %mul3A_477 = arith.muli %add3A_436, %mul3A_476 : i32
      %add3A_478 = arith.constant 2 : i32
      %add3A_479 = arith.addi %mul3A_477, %add3A_478 : i32
      %dma_start3A_480 = arith.constant 1 : i32
      %dma_start3A_481 = arith.constant 2 : i32
      %dma_start3A_482 = arith.constant 0 : i32
      %dma_start3A_483 = arith.constant 0 : i32
      %dma_start3A_484 = tpu.memref_slice %arg6[%dma_start3A_480, %dma_start3A_481, %dma_start3A_482, %dma_start3A_483] : memref<2x13x128x32xf32, #tpu.memory_space<vmem>> -> memref<1x1x128x32xf32, #tpu.memory_space<vmem>>
      %dma_start3A_485 = tpu.memref_squeeze %dma_start3A_484 : memref<1x1x128x32xf32, #tpu.memory_space<vmem>> -> memref<128x32xf32, #tpu.memory_space<vmem>>
      %dma_start3A_486 = arith.constant 0 : i32
      %dma_start3A_487 = tpu.memref_slice %arg5[%add3A_479, %dma_start3A_486] : memref<104x128xi32, #tpu.memory_space<vmem>> -> memref<1x128xi32, #tpu.memory_space<vmem>>
      %dma_start3A_488 = tpu.memref_squeeze %dma_start3A_487 : memref<1x128xi32, #tpu.memory_space<vmem>> -> memref<128xi32, #tpu.memory_space<vmem>>
      %dma_start3A_489 = arith.constant 0 : i32
      %dma_start3A_490 = arith.constant 0 : i32
      %dma_start3A_491 = tpu.memref_slice %arg2[%dma_start3A_489, %dma_start3A_490] : memref<1000000x32xf32, #tpu.memory_space<hbm>> -> memref<1000000x32xf32, #tpu.memory_space<hbm>>
      tpu.enqueue_indirect_dma source(%dma_start3A_491 : memref<1000000x32xf32, #tpu.memory_space<hbm>>) target(%dma_start3A_485 : memref<128x32xf32, #tpu.memory_space<vmem>>) offsets(%dma_start3A_488 : memref<128xi32, #tpu.memory_space<vmem>>) semaphore(%arg7 : memref<!tpu.dma_semaphore, #tpu.memory_space<semaphore_mem>>)
      %mul3A_492 = arith.constant 13 : i32
      %mul3A_493 = arith.muli %add3A_436, %mul3A_492 : i32
      %add3A_494 = arith.constant 3 : i32
      %add3A_495 = arith.addi %mul3A_493, %add3A_494 : i32
      %dma_start3A_496 = arith.constant 1 : i32
      %dma_start3A_497 = arith.constant 3 : i32
      %dma_start3A_498 = arith.constant 0 : i32
      %dma_start3A_499 = arith.constant 0 : i32
      %dma_start3A_500 = tpu.memref_slice %arg6[%dma_start3A_496, %dma_start3A_497, %dma_start3A_498, %dma_start3A_499] : memref<2x13x128x32xf32, #tpu.memory_space<vmem>> -> memref<1x1x128x32xf32, #tpu.memory_space<vmem>>
      %dma_start3A_501 = tpu.memref_squeeze %dma_start3A_500 : memref<1x1x128x32xf32, #tpu.memory_space<vmem>> -> memref<128x32xf32, #tpu.memory_space<vmem>>
      %dma_start3A_502 = arith.constant 0 : i32
      %dma_start3A_503 = tpu.memref_slice %arg5[%add3A_495, %dma_start3A_502] : memref<104x128xi32, #tpu.memory_space<vmem>> -> memref<1x128xi32, #tpu.memory_space<vmem>>
      %dma_start3A_504 = tpu.memref_squeeze %dma_start3A_503 : memref<1x128xi32, #tpu.memory_space<vmem>> -> memref<128xi32, #tpu.memory_space<vmem>>
      %dma_start3A_505 = arith.constant 0 : i32
      %dma_start3A_506 = arith.constant 0 : i32
      %dma_start3A_507 = tpu.memref_slice %arg2[%dma_start3A_505, %dma_start3A_506] : memref<1000000x32xf32, #tpu.memory_space<hbm>> -> memref<1000000x32xf32, #tpu.memory_space<hbm>>
      tpu.enqueue_indirect_dma source(%dma_start3A_507 : memref<1000000x32xf32, #tpu.memory_space<hbm>>) target(%dma_start3A_501 : memref<128x32xf32, #tpu.memory_space<vmem>>) offsets(%dma_start3A_504 : memref<128xi32, #tpu.memory_space<vmem>>) semaphore(%arg7 : memref<!tpu.dma_semaphore, #tpu.memory_space<semaphore_mem>>)
      %mul3A_508 = arith.constant 13 : i32
      %mul3A_509 = arith.muli %add3A_436, %mul3A_508 : i32
      %add3A_510 = arith.constant 4 : i32
      %add3A_511 = arith.addi %mul3A_509, %add3A_510 : i32
      %dma_start3A_512 = arith.constant 1 : i32
      %dma_start3A_513 = arith.constant 4 : i32
      %dma_start3A_514 = arith.constant 0 : i32
      %dma_start3A_515 = arith.constant 0 : i32
      %dma_start3A_516 = tpu.memref_slice %arg6[%dma_start3A_512, %dma_start3A_513, %dma_start3A_514, %dma_start3A_515] : memref<2x13x128x32xf32, #tpu.memory_space<vmem>> -> memref<1x1x128x32xf32, #tpu.memory_space<vmem>>
      %dma_start3A_517 = tpu.memref_squeeze %dma_start3A_516 : memref<1x1x128x32xf32, #tpu.memory_space<vmem>> -> memref<128x32xf32, #tpu.memory_space<vmem>>
      %dma_start3A_518 = arith.constant 0 : i32
      %dma_start3A_519 = tpu.memref_slice %arg5[%add3A_511, %dma_start3A_518] : memref<104x128xi32, #tpu.memory_space<vmem>> -> memref<1x128xi32, #tpu.memory_space<vmem>>
      %dma_start3A_520 = tpu.memref_squeeze %dma_start3A_519 : memref<1x128xi32, #tpu.memory_space<vmem>> -> memref<128xi32, #tpu.memory_space<vmem>>
      %dma_start3A_521 = arith.constant 0 : i32
      %dma_start3A_522 = arith.constant 0 : i32
      %dma_start3A_523 = tpu.memref_slice %arg2[%dma_start3A_521, %dma_start3A_522] : memref<1000000x32xf32, #tpu.memory_space<hbm>> -> memref<1000000x32xf32, #tpu.memory_space<hbm>>
      tpu.enqueue_indirect_dma source(%dma_start3A_523 : memref<1000000x32xf32, #tpu.memory_space<hbm>>) target(%dma_start3A_517 : memref<128x32xf32, #tpu.memory_space<vmem>>) offsets(%dma_start3A_520 : memref<128xi32, #tpu.memory_space<vmem>>) semaphore(%arg7 : memref<!tpu.dma_semaphore, #tpu.memory_space<semaphore_mem>>)
      %mul3A_524 = arith.constant 13 : i32
      %mul3A_525 = arith.muli %add3A_436, %mul3A_524 : i32
      %add3A_526 = arith.constant 5 : i32
      %add3A_527 = arith.addi %mul3A_525, %add3A_526 : i32
      %dma_start3A_528 = arith.constant 1 : i32
      %dma_start3A_529 = arith.constant 5 : i32
      %dma_start3A_530 = arith.constant 0 : i32
      %dma_start3A_531 = arith.constant 0 : i32
      %dma_start3A_532 = tpu.memref_slice %arg6[%dma_start3A_528, %dma_start3A_529, %dma_start3A_530, %dma_start3A_531] : memref<2x13x128x32xf32, #tpu.memory_space<vmem>> -> memref<1x1x128x32xf32, #tpu.memory_space<vmem>>
      %dma_start3A_533 = tpu.memref_squeeze %dma_start3A_532 : memref<1x1x128x32xf32, #tpu.memory_space<vmem>> -> memref<128x32xf32, #tpu.memory_space<vmem>>
      %dma_start3A_534 = arith.constant 0 : i32
      %dma_start3A_535 = tpu.memref_slice %arg5[%add3A_527, %dma_start3A_534] : memref<104x128xi32, #tpu.memory_space<vmem>> -> memref<1x128xi32, #tpu.memory_space<vmem>>
      %dma_start3A_536 = tpu.memref_squeeze %dma_start3A_535 : memref<1x128xi32, #tpu.memory_space<vmem>> -> memref<128xi32, #tpu.memory_space<vmem>>
      %dma_start3A_537 = arith.constant 0 : i32
      %dma_start3A_538 = arith.constant 0 : i32
      %dma_start3A_539 = tpu.memref_slice %arg2[%dma_start3A_537, %dma_start3A_538] : memref<1000000x32xf32, #tpu.memory_space<hbm>> -> memref<1000000x32xf32, #tpu.memory_space<hbm>>
      tpu.enqueue_indirect_dma source(%dma_start3A_539 : memref<1000000x32xf32, #tpu.memory_space<hbm>>) target(%dma_start3A_533 : memref<128x32xf32, #tpu.memory_space<vmem>>) offsets(%dma_start3A_536 : memref<128xi32, #tpu.memory_space<vmem>>) semaphore(%arg7 : memref<!tpu.dma_semaphore, #tpu.memory_space<semaphore_mem>>)
      %mul3A_540 = arith.constant 13 : i32
      %mul3A_541 = arith.muli %add3A_436, %mul3A_540 : i32
      %add3A_542 = arith.constant 6 : i32
      %add3A_543 = arith.addi %mul3A_541, %add3A_542 : i32
      %dma_start3A_544 = arith.constant 1 : i32
      %dma_start3A_545 = arith.constant 6 : i32
      %dma_start3A_546 = arith.constant 0 : i32
      %dma_start3A_547 = arith.constant 0 : i32
      %dma_start3A_548 = tpu.memref_slice %arg6[%dma_start3A_544, %dma_start3A_545, %dma_start3A_546, %dma_start3A_547] : memref<2x13x128x32xf32, #tpu.memory_space<vmem>> -> memref<1x1x128x32xf32, #tpu.memory_space<vmem>>
      %dma_start3A_549 = tpu.memref_squeeze %dma_start3A_548 : memref<1x1x128x32xf32, #tpu.memory_space<vmem>> -> memref<128x32xf32, #tpu.memory_space<vmem>>
      %dma_start3A_550 = arith.constant 0 : i32
      %dma_start3A_551 = tpu.memref_slice %arg5[%add3A_543, %dma_start3A_550] : memref<104x128xi32, #tpu.memory_space<vmem>> -> memref<1x128xi32, #tpu.memory_space<vmem>>
      %dma_start3A_552 = tpu.memref_squeeze %dma_start3A_551 : memref<1x128xi32, #tpu.memory_space<vmem>> -> memref<128xi32, #tpu.memory_space<vmem>>
      %dma_start3A_553 = arith.constant 0 : i32
      %dma_start3A_554 = arith.constant 0 : i32
      %dma_start3A_555 = tpu.memref_slice %arg2[%dma_start3A_553, %dma_start3A_554] : memref<1000000x32xf32, #tpu.memory_space<hbm>> -> memref<1000000x32xf32, #tpu.memory_space<hbm>>
      tpu.enqueue_indirect_dma source(%dma_start3A_555 : memref<1000000x32xf32, #tpu.memory_space<hbm>>) target(%dma_start3A_549 : memref<128x32xf32, #tpu.memory_space<vmem>>) offsets(%dma_start3A_552 : memref<128xi32, #tpu.memory_space<vmem>>) semaphore(%arg7 : memref<!tpu.dma_semaphore, #tpu.memory_space<semaphore_mem>>)
      %mul3A_556 = arith.constant 13 : i32
      %mul3A_557 = arith.muli %add3A_436, %mul3A_556 : i32
      %add3A_558 = arith.constant 7 : i32
      %add3A_559 = arith.addi %mul3A_557, %add3A_558 : i32
      %dma_start3A_560 = arith.constant 1 : i32
      %dma_start3A_561 = arith.constant 7 : i32
      %dma_start3A_562 = arith.constant 0 : i32
      %dma_start3A_563 = arith.constant 0 : i32
      %dma_start3A_564 = tpu.memref_slice %arg6[%dma_start3A_560, %dma_start3A_561, %dma_start3A_562, %dma_start3A_563] : memref<2x13x128x32xf32, #tpu.memory_space<vmem>> -> memref<1x1x128x32xf32, #tpu.memory_space<vmem>>
      %dma_start3A_565 = tpu.memref_squeeze %dma_start3A_564 : memref<1x1x128x32xf32, #tpu.memory_space<vmem>> -> memref<128x32xf32, #tpu.memory_space<vmem>>
      %dma_start3A_566 = arith.constant 0 : i32
      %dma_start3A_567 = tpu.memref_slice %arg5[%add3A_559, %dma_start3A_566] : memref<104x128xi32, #tpu.memory_space<vmem>> -> memref<1x128xi32, #tpu.memory_space<vmem>>
      %dma_start3A_568 = tpu.memref_squeeze %dma_start3A_567 : memref<1x128xi32, #tpu.memory_space<vmem>> -> memref<128xi32, #tpu.memory_space<vmem>>
      %dma_start3A_569 = arith.constant 0 : i32
      %dma_start3A_570 = arith.constant 0 : i32
      %dma_start3A_571 = tpu.memref_slice %arg2[%dma_start3A_569, %dma_start3A_570] : memref<1000000x32xf32, #tpu.memory_space<hbm>> -> memref<1000000x32xf32, #tpu.memory_space<hbm>>
      tpu.enqueue_indirect_dma source(%dma_start3A_571 : memref<1000000x32xf32, #tpu.memory_space<hbm>>) target(%dma_start3A_565 : memref<128x32xf32, #tpu.memory_space<vmem>>) offsets(%dma_start3A_568 : memref<128xi32, #tpu.memory_space<vmem>>) semaphore(%arg7 : memref<!tpu.dma_semaphore, #tpu.memory_space<semaphore_mem>>)
      %mul3A_572 = arith.constant 13 : i32
      %mul3A_573 = arith.muli %add3A_436, %mul3A_572 : i32
      %add3A_574 = arith.constant 8 : i32
      %add3A_575 = arith.addi %mul3A_573, %add3A_574 : i32
      %dma_start3A_576 = arith.constant 1 : i32
      %dma_start3A_577 = arith.constant 8 : i32
      %dma_start3A_578 = arith.constant 0 : i32
      %dma_start3A_579 = arith.constant 0 : i32
      %dma_start3A_580 = tpu.memref_slice %arg6[%dma_start3A_576, %dma_start3A_577, %dma_start3A_578, %dma_start3A_579] : memref<2x13x128x32xf32, #tpu.memory_space<vmem>> -> memref<1x1x128x32xf32, #tpu.memory_space<vmem>>
      %dma_start3A_581 = tpu.memref_squeeze %dma_start3A_580 : memref<1x1x128x32xf32, #tpu.memory_space<vmem>> -> memref<128x32xf32, #tpu.memory_space<vmem>>
      %dma_start3A_582 = arith.constant 0 : i32
      %dma_start3A_583 = tpu.memref_slice %arg5[%add3A_575, %dma_start3A_582] : memref<104x128xi32, #tpu.memory_space<vmem>> -> memref<1x128xi32, #tpu.memory_space<vmem>>
      %dma_start3A_584 = tpu.memref_squeeze %dma_start3A_583 : memref<1x128xi32, #tpu.memory_space<vmem>> -> memref<128xi32, #tpu.memory_space<vmem>>
      %dma_start3A_585 = arith.constant 0 : i32
      %dma_start3A_586 = arith.constant 0 : i32
      %dma_start3A_587 = tpu.memref_slice %arg2[%dma_start3A_585, %dma_start3A_586] : memref<1000000x32xf32, #tpu.memory_space<hbm>> -> memref<1000000x32xf32, #tpu.memory_space<hbm>>
      tpu.enqueue_indirect_dma source(%dma_start3A_587 : memref<1000000x32xf32, #tpu.memory_space<hbm>>) target(%dma_start3A_581 : memref<128x32xf32, #tpu.memory_space<vmem>>) offsets(%dma_start3A_584 : memref<128xi32, #tpu.memory_space<vmem>>) semaphore(%arg7 : memref<!tpu.dma_semaphore, #tpu.memory_space<semaphore_mem>>)
      %mul3A_588 = arith.constant 13 : i32
      %mul3A_589 = arith.muli %add3A_436, %mul3A_588 : i32
      %add3A_590 = arith.constant 9 : i32
      %add3A_591 = arith.addi %mul3A_589, %add3A_590 : i32
      %dma_start3A_592 = arith.constant 1 : i32
      %dma_start3A_593 = arith.constant 9 : i32
      %dma_start3A_594 = arith.constant 0 : i32
      %dma_start3A_595 = arith.constant 0 : i32
      %dma_start3A_596 = tpu.memref_slice %arg6[%dma_start3A_592, %dma_start3A_593, %dma_start3A_594, %dma_start3A_595] : memref<2x13x128x32xf32, #tpu.memory_space<vmem>> -> memref<1x1x128x32xf32, #tpu.memory_space<vmem>>
      %dma_start3A_597 = tpu.memref_squeeze %dma_start3A_596 : memref<1x1x128x32xf32, #tpu.memory_space<vmem>> -> memref<128x32xf32, #tpu.memory_space<vmem>>
      %dma_start3A_598 = arith.constant 0 : i32
      %dma_start3A_599 = tpu.memref_slice %arg5[%add3A_591, %dma_start3A_598] : memref<104x128xi32, #tpu.memory_space<vmem>> -> memref<1x128xi32, #tpu.memory_space<vmem>>
      %dma_start3A_600 = tpu.memref_squeeze %dma_start3A_599 : memref<1x128xi32, #tpu.memory_space<vmem>> -> memref<128xi32, #tpu.memory_space<vmem>>
      %dma_start3A_601 = arith.constant 0 : i32
      %dma_start3A_602 = arith.constant 0 : i32
      %dma_start3A_603 = tpu.memref_slice %arg2[%dma_start3A_601, %dma_start3A_602] : memref<1000000x32xf32, #tpu.memory_space<hbm>> -> memref<1000000x32xf32, #tpu.memory_space<hbm>>
      tpu.enqueue_indirect_dma source(%dma_start3A_603 : memref<1000000x32xf32, #tpu.memory_space<hbm>>) target(%dma_start3A_597 : memref<128x32xf32, #tpu.memory_space<vmem>>) offsets(%dma_start3A_600 : memref<128xi32, #tpu.memory_space<vmem>>) semaphore(%arg7 : memref<!tpu.dma_semaphore, #tpu.memory_space<semaphore_mem>>)
      %mul3A_604 = arith.constant 13 : i32
      %mul3A_605 = arith.muli %add3A_436, %mul3A_604 : i32
      %add3A_606 = arith.constant 10 : i32
      %add3A_607 = arith.addi %mul3A_605, %add3A_606 : i32
      %dma_start3A_608 = arith.constant 1 : i32
      %dma_start3A_609 = arith.constant 10 : i32
      %dma_start3A_610 = arith.constant 0 : i32
      %dma_start3A_611 = arith.constant 0 : i32
      %dma_start3A_612 = tpu.memref_slice %arg6[%dma_start3A_608, %dma_start3A_609, %dma_start3A_610, %dma_start3A_611] : memref<2x13x128x32xf32, #tpu.memory_space<vmem>> -> memref<1x1x128x32xf32, #tpu.memory_space<vmem>>
      %dma_start3A_613 = tpu.memref_squeeze %dma_start3A_612 : memref<1x1x128x32xf32, #tpu.memory_space<vmem>> -> memref<128x32xf32, #tpu.memory_space<vmem>>
      %dma_start3A_614 = arith.constant 0 : i32
      %dma_start3A_615 = tpu.memref_slice %arg5[%add3A_607, %dma_start3A_614] : memref<104x128xi32, #tpu.memory_space<vmem>> -> memref<1x128xi32, #tpu.memory_space<vmem>>
      %dma_start3A_616 = tpu.memref_squeeze %dma_start3A_615 : memref<1x128xi32, #tpu.memory_space<vmem>> -> memref<128xi32, #tpu.memory_space<vmem>>
      %dma_start3A_617 = arith.constant 0 : i32
      %dma_start3A_618 = arith.constant 0 : i32
      %dma_start3A_619 = tpu.memref_slice %arg2[%dma_start3A_617, %dma_start3A_618] : memref<1000000x32xf32, #tpu.memory_space<hbm>> -> memref<1000000x32xf32, #tpu.memory_space<hbm>>
      tpu.enqueue_indirect_dma source(%dma_start3A_619 : memref<1000000x32xf32, #tpu.memory_space<hbm>>) target(%dma_start3A_613 : memref<128x32xf32, #tpu.memory_space<vmem>>) offsets(%dma_start3A_616 : memref<128xi32, #tpu.memory_space<vmem>>) semaphore(%arg7 : memref<!tpu.dma_semaphore, #tpu.memory_space<semaphore_mem>>)
      %mul3A_620 = arith.constant 13 : i32
      %mul3A_621 = arith.muli %add3A_436, %mul3A_620 : i32
      %add3A_622 = arith.constant 11 : i32
      %add3A_623 = arith.addi %mul3A_621, %add3A_622 : i32
      %dma_start3A_624 = arith.constant 1 : i32
      %dma_start3A_625 = arith.constant 11 : i32
      %dma_start3A_626 = arith.constant 0 : i32
      %dma_start3A_627 = arith.constant 0 : i32
      %dma_start3A_628 = tpu.memref_slice %arg6[%dma_start3A_624, %dma_start3A_625, %dma_start3A_626, %dma_start3A_627] : memref<2x13x128x32xf32, #tpu.memory_space<vmem>> -> memref<1x1x128x32xf32, #tpu.memory_space<vmem>>
      %dma_start3A_629 = tpu.memref_squeeze %dma_start3A_628 : memref<1x1x128x32xf32, #tpu.memory_space<vmem>> -> memref<128x32xf32, #tpu.memory_space<vmem>>
      %dma_start3A_630 = arith.constant 0 : i32
      %dma_start3A_631 = tpu.memref_slice %arg5[%add3A_623, %dma_start3A_630] : memref<104x128xi32, #tpu.memory_space<vmem>> -> memref<1x128xi32, #tpu.memory_space<vmem>>
      %dma_start3A_632 = tpu.memref_squeeze %dma_start3A_631 : memref<1x128xi32, #tpu.memory_space<vmem>> -> memref<128xi32, #tpu.memory_space<vmem>>
      %dma_start3A_633 = arith.constant 0 : i32
      %dma_start3A_634 = arith.constant 0 : i32
      %dma_start3A_635 = tpu.memref_slice %arg2[%dma_start3A_633, %dma_start3A_634] : memref<1000000x32xf32, #tpu.memory_space<hbm>> -> memref<1000000x32xf32, #tpu.memory_space<hbm>>
      tpu.enqueue_indirect_dma source(%dma_start3A_635 : memref<1000000x32xf32, #tpu.memory_space<hbm>>) target(%dma_start3A_629 : memref<128x32xf32, #tpu.memory_space<vmem>>) offsets(%dma_start3A_632 : memref<128xi32, #tpu.memory_space<vmem>>) semaphore(%arg7 : memref<!tpu.dma_semaphore, #tpu.memory_space<semaphore_mem>>)
      %mul3A_636 = arith.constant 13 : i32
      %mul3A_637 = arith.muli %add3A_436, %mul3A_636 : i32
      %add3A_638 = arith.constant 12 : i32
      %add3A_639 = arith.addi %mul3A_637, %add3A_638 : i32
      %dma_start3A_640 = arith.constant 1 : i32
      %dma_start3A_641 = arith.constant 12 : i32
      %dma_start3A_642 = arith.constant 0 : i32
      %dma_start3A_643 = arith.constant 0 : i32
      %dma_start3A_644 = tpu.memref_slice %arg6[%dma_start3A_640, %dma_start3A_641, %dma_start3A_642, %dma_start3A_643] : memref<2x13x128x32xf32, #tpu.memory_space<vmem>> -> memref<1x1x128x32xf32, #tpu.memory_space<vmem>>
      %dma_start3A_645 = tpu.memref_squeeze %dma_start3A_644 : memref<1x1x128x32xf32, #tpu.memory_space<vmem>> -> memref<128x32xf32, #tpu.memory_space<vmem>>
      %dma_start3A_646 = arith.constant 0 : i32
      %dma_start3A_647 = tpu.memref_slice %arg5[%add3A_639, %dma_start3A_646] : memref<104x128xi32, #tpu.memory_space<vmem>> -> memref<1x128xi32, #tpu.memory_space<vmem>>
      %dma_start3A_648 = tpu.memref_squeeze %dma_start3A_647 : memref<1x128xi32, #tpu.memory_space<vmem>> -> memref<128xi32, #tpu.memory_space<vmem>>
      %dma_start3A_649 = arith.constant 0 : i32
      %dma_start3A_650 = arith.constant 0 : i32
      %dma_start3A_651 = tpu.memref_slice %arg2[%dma_start3A_649, %dma_start3A_650] : memref<1000000x32xf32, #tpu.memory_space<hbm>> -> memref<1000000x32xf32, #tpu.memory_space<hbm>>
      tpu.enqueue_indirect_dma source(%dma_start3A_651 : memref<1000000x32xf32, #tpu.memory_space<hbm>>) target(%dma_start3A_645 : memref<128x32xf32, #tpu.memory_space<vmem>>) offsets(%dma_start3A_648 : memref<128xi32, #tpu.memory_space<vmem>>) semaphore(%arg7 : memref<!tpu.dma_semaphore, #tpu.memory_space<semaphore_mem>>)
      %dma_wait3A_652 = arith.constant 1 : i32
      %dma_wait3A_653 = arith.constant 0 : i32
      %dma_wait3A_654 = arith.constant 0 : i32
      %dma_wait3A_655 = arith.constant 0 : i32
      %dma_wait3A_656 = tpu.memref_slice %arg6[%dma_wait3A_652, %dma_wait3A_653, %dma_wait3A_654, %dma_wait3A_655] : memref<2x13x128x32xf32, #tpu.memory_space<vmem>> -> memref<1x1x128x32xf32, #tpu.memory_space<vmem>>
      %dma_wait3A_657 = tpu.memref_squeeze %dma_wait3A_656 : memref<1x1x128x32xf32, #tpu.memory_space<vmem>> -> memref<128x32xf32, #tpu.memory_space<vmem>>
      %dma_wait3A_658 = arith.constant 0 : i32
      %dma_wait3A_659 = tpu.memref_slice %arg5[%add3A_447, %dma_wait3A_658] : memref<104x128xi32, #tpu.memory_space<vmem>> -> memref<1x128xi32, #tpu.memory_space<vmem>>
      %dma_wait3A_660 = tpu.memref_squeeze %dma_wait3A_659 : memref<1x128xi32, #tpu.memory_space<vmem>> -> memref<128xi32, #tpu.memory_space<vmem>>
      %dma_wait3A_661 = arith.constant 0 : i32
      %dma_wait3A_662 = arith.constant 0 : i32
      %dma_wait3A_663 = tpu.memref_slice %arg2[%dma_wait3A_661, %dma_wait3A_662] : memref<1000000x32xf32, #tpu.memory_space<hbm>> -> memref<1000000x32xf32, #tpu.memory_space<hbm>>
      tpu.wait_indirect_dma semaphore(%arg7 : memref<!tpu.dma_semaphore, #tpu.memory_space<semaphore_mem>>) src(%dma_wait3A_663 : memref<1000000x32xf32, #tpu.memory_space<hbm>>) dst(%dma_wait3A_657 : memref<128x32xf32, #tpu.memory_space<vmem>>)
      %dma_wait3A_664 = arith.constant 1 : i32
      %dma_wait3A_665 = arith.constant 1 : i32
      %dma_wait3A_666 = arith.constant 0 : i32
      %dma_wait3A_667 = arith.constant 0 : i32
      %dma_wait3A_668 = tpu.memref_slice %arg6[%dma_wait3A_664, %dma_wait3A_665, %dma_wait3A_666, %dma_wait3A_667] : memref<2x13x128x32xf32, #tpu.memory_space<vmem>> -> memref<1x1x128x32xf32, #tpu.memory_space<vmem>>
      %dma_wait3A_669 = tpu.memref_squeeze %dma_wait3A_668 : memref<1x1x128x32xf32, #tpu.memory_space<vmem>> -> memref<128x32xf32, #tpu.memory_space<vmem>>
      %dma_wait3A_670 = arith.constant 0 : i32
      %dma_wait3A_671 = tpu.memref_slice %arg5[%add3A_463, %dma_wait3A_670] : memref<104x128xi32, #tpu.memory_space<vmem>> -> memref<1x128xi32, #tpu.memory_space<vmem>>
      %dma_wait3A_672 = tpu.memref_squeeze %dma_wait3A_671 : memref<1x128xi32, #tpu.memory_space<vmem>> -> memref<128xi32, #tpu.memory_space<vmem>>
      %dma_wait3A_673 = arith.constant 0 : i32
      %dma_wait3A_674 = arith.constant 0 : i32
      %dma_wait3A_675 = tpu.memref_slice %arg2[%dma_wait3A_673, %dma_wait3A_674] : memref<1000000x32xf32, #tpu.memory_space<hbm>> -> memref<1000000x32xf32, #tpu.memory_space<hbm>>
      tpu.wait_indirect_dma semaphore(%arg7 : memref<!tpu.dma_semaphore, #tpu.memory_space<semaphore_mem>>) src(%dma_wait3A_675 : memref<1000000x32xf32, #tpu.memory_space<hbm>>) dst(%dma_wait3A_669 : memref<128x32xf32, #tpu.memory_space<vmem>>)
      %dma_wait3A_676 = arith.constant 1 : i32
      %dma_wait3A_677 = arith.constant 2 : i32
      %dma_wait3A_678 = arith.constant 0 : i32
      %dma_wait3A_679 = arith.constant 0 : i32
      %dma_wait3A_680 = tpu.memref_slice %arg6[%dma_wait3A_676, %dma_wait3A_677, %dma_wait3A_678, %dma_wait3A_679] : memref<2x13x128x32xf32, #tpu.memory_space<vmem>> -> memref<1x1x128x32xf32, #tpu.memory_space<vmem>>
      %dma_wait3A_681 = tpu.memref_squeeze %dma_wait3A_680 : memref<1x1x128x32xf32, #tpu.memory_space<vmem>> -> memref<128x32xf32, #tpu.memory_space<vmem>>
      %dma_wait3A_682 = arith.constant 0 : i32
      %dma_wait3A_683 = tpu.memref_slice %arg5[%add3A_479, %dma_wait3A_682] : memref<104x128xi32, #tpu.memory_space<vmem>> -> memref<1x128xi32, #tpu.memory_space<vmem>>
      %dma_wait3A_684 = tpu.memref_squeeze %dma_wait3A_683 : memref<1x128xi32, #tpu.memory_space<vmem>> -> memref<128xi32, #tpu.memory_space<vmem>>
      %dma_wait3A_685 = arith.constant 0 : i32
      %dma_wait3A_686 = arith.constant 0 : i32
      %dma_wait3A_687 = tpu.memref_slice %arg2[%dma_wait3A_685, %dma_wait3A_686] : memref<1000000x32xf32, #tpu.memory_space<hbm>> -> memref<1000000x32xf32, #tpu.memory_space<hbm>>
      tpu.wait_indirect_dma semaphore(%arg7 : memref<!tpu.dma_semaphore, #tpu.memory_space<semaphore_mem>>) src(%dma_wait3A_687 : memref<1000000x32xf32, #tpu.memory_space<hbm>>) dst(%dma_wait3A_681 : memref<128x32xf32, #tpu.memory_space<vmem>>)
      %dma_wait3A_688 = arith.constant 1 : i32
      %dma_wait3A_689 = arith.constant 3 : i32
      %dma_wait3A_690 = arith.constant 0 : i32
      %dma_wait3A_691 = arith.constant 0 : i32
      %dma_wait3A_692 = tpu.memref_slice %arg6[%dma_wait3A_688, %dma_wait3A_689, %dma_wait3A_690, %dma_wait3A_691] : memref<2x13x128x32xf32, #tpu.memory_space<vmem>> -> memref<1x1x128x32xf32, #tpu.memory_space<vmem>>
      %dma_wait3A_693 = tpu.memref_squeeze %dma_wait3A_692 : memref<1x1x128x32xf32, #tpu.memory_space<vmem>> -> memref<128x32xf32, #tpu.memory_space<vmem>>
      %dma_wait3A_694 = arith.constant 0 : i32
      %dma_wait3A_695 = tpu.memref_slice %arg5[%add3A_495, %dma_wait3A_694] : memref<104x128xi32, #tpu.memory_space<vmem>> -> memref<1x128xi32, #tpu.memory_space<vmem>>
      %dma_wait3A_696 = tpu.memref_squeeze %dma_wait3A_695 : memref<1x128xi32, #tpu.memory_space<vmem>> -> memref<128xi32, #tpu.memory_space<vmem>>
      %dma_wait3A_697 = arith.constant 0 : i32
      %dma_wait3A_698 = arith.constant 0 : i32
      %dma_wait3A_699 = tpu.memref_slice %arg2[%dma_wait3A_697, %dma_wait3A_698] : memref<1000000x32xf32, #tpu.memory_space<hbm>> -> memref<1000000x32xf32, #tpu.memory_space<hbm>>
      tpu.wait_indirect_dma semaphore(%arg7 : memref<!tpu.dma_semaphore, #tpu.memory_space<semaphore_mem>>) src(%dma_wait3A_699 : memref<1000000x32xf32, #tpu.memory_space<hbm>>) dst(%dma_wait3A_693 : memref<128x32xf32, #tpu.memory_space<vmem>>)
      %dma_wait3A_700 = arith.constant 1 : i32
      %dma_wait3A_701 = arith.constant 4 : i32
      %dma_wait3A_702 = arith.constant 0 : i32
      %dma_wait3A_703 = arith.constant 0 : i32
      %dma_wait3A_704 = tpu.memref_slice %arg6[%dma_wait3A_700, %dma_wait3A_701, %dma_wait3A_702, %dma_wait3A_703] : memref<2x13x128x32xf32, #tpu.memory_space<vmem>> -> memref<1x1x128x32xf32, #tpu.memory_space<vmem>>
      %dma_wait3A_705 = tpu.memref_squeeze %dma_wait3A_704 : memref<1x1x128x32xf32, #tpu.memory_space<vmem>> -> memref<128x32xf32, #tpu.memory_space<vmem>>
      %dma_wait3A_706 = arith.constant 0 : i32
      %dma_wait3A_707 = tpu.memref_slice %arg5[%add3A_511, %dma_wait3A_706] : memref<104x128xi32, #tpu.memory_space<vmem>> -> memref<1x128xi32, #tpu.memory_space<vmem>>
      %dma_wait3A_708 = tpu.memref_squeeze %dma_wait3A_707 : memref<1x128xi32, #tpu.memory_space<vmem>> -> memref<128xi32, #tpu.memory_space<vmem>>
      %dma_wait3A_709 = arith.constant 0 : i32
      %dma_wait3A_710 = arith.constant 0 : i32
      %dma_wait3A_711 = tpu.memref_slice %arg2[%dma_wait3A_709, %dma_wait3A_710] : memref<1000000x32xf32, #tpu.memory_space<hbm>> -> memref<1000000x32xf32, #tpu.memory_space<hbm>>
      tpu.wait_indirect_dma semaphore(%arg7 : memref<!tpu.dma_semaphore, #tpu.memory_space<semaphore_mem>>) src(%dma_wait3A_711 : memref<1000000x32xf32, #tpu.memory_space<hbm>>) dst(%dma_wait3A_705 : memref<128x32xf32, #tpu.memory_space<vmem>>)
      %dma_wait3A_712 = arith.constant 1 : i32
      %dma_wait3A_713 = arith.constant 5 : i32
      %dma_wait3A_714 = arith.constant 0 : i32
      %dma_wait3A_715 = arith.constant 0 : i32
      %dma_wait3A_716 = tpu.memref_slice %arg6[%dma_wait3A_712, %dma_wait3A_713, %dma_wait3A_714, %dma_wait3A_715] : memref<2x13x128x32xf32, #tpu.memory_space<vmem>> -> memref<1x1x128x32xf32, #tpu.memory_space<vmem>>
      %dma_wait3A_717 = tpu.memref_squeeze %dma_wait3A_716 : memref<1x1x128x32xf32, #tpu.memory_space<vmem>> -> memref<128x32xf32, #tpu.memory_space<vmem>>
      %dma_wait3A_718 = arith.constant 0 : i32
      %dma_wait3A_719 = tpu.memref_slice %arg5[%add3A_527, %dma_wait3A_718] : memref<104x128xi32, #tpu.memory_space<vmem>> -> memref<1x128xi32, #tpu.memory_space<vmem>>
      %dma_wait3A_720 = tpu.memref_squeeze %dma_wait3A_719 : memref<1x128xi32, #tpu.memory_space<vmem>> -> memref<128xi32, #tpu.memory_space<vmem>>
      %dma_wait3A_721 = arith.constant 0 : i32
      %dma_wait3A_722 = arith.constant 0 : i32
      %dma_wait3A_723 = tpu.memref_slice %arg2[%dma_wait3A_721, %dma_wait3A_722] : memref<1000000x32xf32, #tpu.memory_space<hbm>> -> memref<1000000x32xf32, #tpu.memory_space<hbm>>
      tpu.wait_indirect_dma semaphore(%arg7 : memref<!tpu.dma_semaphore, #tpu.memory_space<semaphore_mem>>) src(%dma_wait3A_723 : memref<1000000x32xf32, #tpu.memory_space<hbm>>) dst(%dma_wait3A_717 : memref<128x32xf32, #tpu.memory_space<vmem>>)
      %dma_wait3A_724 = arith.constant 1 : i32
      %dma_wait3A_725 = arith.constant 6 : i32
      %dma_wait3A_726 = arith.constant 0 : i32
      %dma_wait3A_727 = arith.constant 0 : i32
      %dma_wait3A_728 = tpu.memref_slice %arg6[%dma_wait3A_724, %dma_wait3A_725, %dma_wait3A_726, %dma_wait3A_727] : memref<2x13x128x32xf32, #tpu.memory_space<vmem>> -> memref<1x1x128x32xf32, #tpu.memory_space<vmem>>
      %dma_wait3A_729 = tpu.memref_squeeze %dma_wait3A_728 : memref<1x1x128x32xf32, #tpu.memory_space<vmem>> -> memref<128x32xf32, #tpu.memory_space<vmem>>
      %dma_wait3A_730 = arith.constant 0 : i32
      %dma_wait3A_731 = tpu.memref_slice %arg5[%add3A_543, %dma_wait3A_730] : memref<104x128xi32, #tpu.memory_space<vmem>> -> memref<1x128xi32, #tpu.memory_space<vmem>>
      %dma_wait3A_732 = tpu.memref_squeeze %dma_wait3A_731 : memref<1x128xi32, #tpu.memory_space<vmem>> -> memref<128xi32, #tpu.memory_space<vmem>>
      %dma_wait3A_733 = arith.constant 0 : i32
      %dma_wait3A_734 = arith.constant 0 : i32
      %dma_wait3A_735 = tpu.memref_slice %arg2[%dma_wait3A_733, %dma_wait3A_734] : memref<1000000x32xf32, #tpu.memory_space<hbm>> -> memref<1000000x32xf32, #tpu.memory_space<hbm>>
      tpu.wait_indirect_dma semaphore(%arg7 : memref<!tpu.dma_semaphore, #tpu.memory_space<semaphore_mem>>) src(%dma_wait3A_735 : memref<1000000x32xf32, #tpu.memory_space<hbm>>) dst(%dma_wait3A_729 : memref<128x32xf32, #tpu.memory_space<vmem>>)
      %dma_wait3A_736 = arith.constant 1 : i32
      %dma_wait3A_737 = arith.constant 7 : i32
      %dma_wait3A_738 = arith.constant 0 : i32
      %dma_wait3A_739 = arith.constant 0 : i32
      %dma_wait3A_740 = tpu.memref_slice %arg6[%dma_wait3A_736, %dma_wait3A_737, %dma_wait3A_738, %dma_wait3A_739] : memref<2x13x128x32xf32, #tpu.memory_space<vmem>> -> memref<1x1x128x32xf32, #tpu.memory_space<vmem>>
      %dma_wait3A_741 = tpu.memref_squeeze %dma_wait3A_740 : memref<1x1x128x32xf32, #tpu.memory_space<vmem>> -> memref<128x32xf32, #tpu.memory_space<vmem>>
      %dma_wait3A_742 = arith.constant 0 : i32
      %dma_wait3A_743 = tpu.memref_slice %arg5[%add3A_559, %dma_wait3A_742] : memref<104x128xi32, #tpu.memory_space<vmem>> -> memref<1x128xi32, #tpu.memory_space<vmem>>
      %dma_wait3A_744 = tpu.memref_squeeze %dma_wait3A_743 : memref<1x128xi32, #tpu.memory_space<vmem>> -> memref<128xi32, #tpu.memory_space<vmem>>
      %dma_wait3A_745 = arith.constant 0 : i32
      %dma_wait3A_746 = arith.constant 0 : i32
      %dma_wait3A_747 = tpu.memref_slice %arg2[%dma_wait3A_745, %dma_wait3A_746] : memref<1000000x32xf32, #tpu.memory_space<hbm>> -> memref<1000000x32xf32, #tpu.memory_space<hbm>>
      tpu.wait_indirect_dma semaphore(%arg7 : memref<!tpu.dma_semaphore, #tpu.memory_space<semaphore_mem>>) src(%dma_wait3A_747 : memref<1000000x32xf32, #tpu.memory_space<hbm>>) dst(%dma_wait3A_741 : memref<128x32xf32, #tpu.memory_space<vmem>>)
      %dma_wait3A_748 = arith.constant 1 : i32
      %dma_wait3A_749 = arith.constant 8 : i32
      %dma_wait3A_750 = arith.constant 0 : i32
      %dma_wait3A_751 = arith.constant 0 : i32
      %dma_wait3A_752 = tpu.memref_slice %arg6[%dma_wait3A_748, %dma_wait3A_749, %dma_wait3A_750, %dma_wait3A_751] : memref<2x13x128x32xf32, #tpu.memory_space<vmem>> -> memref<1x1x128x32xf32, #tpu.memory_space<vmem>>
      %dma_wait3A_753 = tpu.memref_squeeze %dma_wait3A_752 : memref<1x1x128x32xf32, #tpu.memory_space<vmem>> -> memref<128x32xf32, #tpu.memory_space<vmem>>
      %dma_wait3A_754 = arith.constant 0 : i32
      %dma_wait3A_755 = tpu.memref_slice %arg5[%add3A_575, %dma_wait3A_754] : memref<104x128xi32, #tpu.memory_space<vmem>> -> memref<1x128xi32, #tpu.memory_space<vmem>>
      %dma_wait3A_756 = tpu.memref_squeeze %dma_wait3A_755 : memref<1x128xi32, #tpu.memory_space<vmem>> -> memref<128xi32, #tpu.memory_space<vmem>>
      %dma_wait3A_757 = arith.constant 0 : i32
      %dma_wait3A_758 = arith.constant 0 : i32
      %dma_wait3A_759 = tpu.memref_slice %arg2[%dma_wait3A_757, %dma_wait3A_758] : memref<1000000x32xf32, #tpu.memory_space<hbm>> -> memref<1000000x32xf32, #tpu.memory_space<hbm>>
      tpu.wait_indirect_dma semaphore(%arg7 : memref<!tpu.dma_semaphore, #tpu.memory_space<semaphore_mem>>) src(%dma_wait3A_759 : memref<1000000x32xf32, #tpu.memory_space<hbm>>) dst(%dma_wait3A_753 : memref<128x32xf32, #tpu.memory_space<vmem>>)
      %dma_wait3A_760 = arith.constant 1 : i32
      %dma_wait3A_761 = arith.constant 9 : i32
      %dma_wait3A_762 = arith.constant 0 : i32
      %dma_wait3A_763 = arith.constant 0 : i32
      %dma_wait3A_764 = tpu.memref_slice %arg6[%dma_wait3A_760, %dma_wait3A_761, %dma_wait3A_762, %dma_wait3A_763] : memref<2x13x128x32xf32, #tpu.memory_space<vmem>> -> memref<1x1x128x32xf32, #tpu.memory_space<vmem>>
      %dma_wait3A_765 = tpu.memref_squeeze %dma_wait3A_764 : memref<1x1x128x32xf32, #tpu.memory_space<vmem>> -> memref<128x32xf32, #tpu.memory_space<vmem>>
      %dma_wait3A_766 = arith.constant 0 : i32
      %dma_wait3A_767 = tpu.memref_slice %arg5[%add3A_591, %dma_wait3A_766] : memref<104x128xi32, #tpu.memory_space<vmem>> -> memref<1x128xi32, #tpu.memory_space<vmem>>
      %dma_wait3A_768 = tpu.memref_squeeze %dma_wait3A_767 : memref<1x128xi32, #tpu.memory_space<vmem>> -> memref<128xi32, #tpu.memory_space<vmem>>
      %dma_wait3A_769 = arith.constant 0 : i32
      %dma_wait3A_770 = arith.constant 0 : i32
      %dma_wait3A_771 = tpu.memref_slice %arg2[%dma_wait3A_769, %dma_wait3A_770] : memref<1000000x32xf32, #tpu.memory_space<hbm>> -> memref<1000000x32xf32, #tpu.memory_space<hbm>>
      tpu.wait_indirect_dma semaphore(%arg7 : memref<!tpu.dma_semaphore, #tpu.memory_space<semaphore_mem>>) src(%dma_wait3A_771 : memref<1000000x32xf32, #tpu.memory_space<hbm>>) dst(%dma_wait3A_765 : memref<128x32xf32, #tpu.memory_space<vmem>>)
      %dma_wait3A_772 = arith.constant 1 : i32
      %dma_wait3A_773 = arith.constant 10 : i32
      %dma_wait3A_774 = arith.constant 0 : i32
      %dma_wait3A_775 = arith.constant 0 : i32
      %dma_wait3A_776 = tpu.memref_slice %arg6[%dma_wait3A_772, %dma_wait3A_773, %dma_wait3A_774, %dma_wait3A_775] : memref<2x13x128x32xf32, #tpu.memory_space<vmem>> -> memref<1x1x128x32xf32, #tpu.memory_space<vmem>>
      %dma_wait3A_777 = tpu.memref_squeeze %dma_wait3A_776 : memref<1x1x128x32xf32, #tpu.memory_space<vmem>> -> memref<128x32xf32, #tpu.memory_space<vmem>>
      %dma_wait3A_778 = arith.constant 0 : i32
      %dma_wait3A_779 = tpu.memref_slice %arg5[%add3A_607, %dma_wait3A_778] : memref<104x128xi32, #tpu.memory_space<vmem>> -> memref<1x128xi32, #tpu.memory_space<vmem>>
      %dma_wait3A_780 = tpu.memref_squeeze %dma_wait3A_779 : memref<1x128xi32, #tpu.memory_space<vmem>> -> memref<128xi32, #tpu.memory_space<vmem>>
      %dma_wait3A_781 = arith.constant 0 : i32
      %dma_wait3A_782 = arith.constant 0 : i32
      %dma_wait3A_783 = tpu.memref_slice %arg2[%dma_wait3A_781, %dma_wait3A_782] : memref<1000000x32xf32, #tpu.memory_space<hbm>> -> memref<1000000x32xf32, #tpu.memory_space<hbm>>
      tpu.wait_indirect_dma semaphore(%arg7 : memref<!tpu.dma_semaphore, #tpu.memory_space<semaphore_mem>>) src(%dma_wait3A_783 : memref<1000000x32xf32, #tpu.memory_space<hbm>>) dst(%dma_wait3A_777 : memref<128x32xf32, #tpu.memory_space<vmem>>)
      %dma_wait3A_784 = arith.constant 1 : i32
      %dma_wait3A_785 = arith.constant 11 : i32
      %dma_wait3A_786 = arith.constant 0 : i32
      %dma_wait3A_787 = arith.constant 0 : i32
      %dma_wait3A_788 = tpu.memref_slice %arg6[%dma_wait3A_784, %dma_wait3A_785, %dma_wait3A_786, %dma_wait3A_787] : memref<2x13x128x32xf32, #tpu.memory_space<vmem>> -> memref<1x1x128x32xf32, #tpu.memory_space<vmem>>
      %dma_wait3A_789 = tpu.memref_squeeze %dma_wait3A_788 : memref<1x1x128x32xf32, #tpu.memory_space<vmem>> -> memref<128x32xf32, #tpu.memory_space<vmem>>
      %dma_wait3A_790 = arith.constant 0 : i32
      %dma_wait3A_791 = tpu.memref_slice %arg5[%add3A_623, %dma_wait3A_790] : memref<104x128xi32, #tpu.memory_space<vmem>> -> memref<1x128xi32, #tpu.memory_space<vmem>>
      %dma_wait3A_792 = tpu.memref_squeeze %dma_wait3A_791 : memref<1x128xi32, #tpu.memory_space<vmem>> -> memref<128xi32, #tpu.memory_space<vmem>>
      %dma_wait3A_793 = arith.constant 0 : i32
      %dma_wait3A_794 = arith.constant 0 : i32
      %dma_wait3A_795 = tpu.memref_slice %arg2[%dma_wait3A_793, %dma_wait3A_794] : memref<1000000x32xf32, #tpu.memory_space<hbm>> -> memref<1000000x32xf32, #tpu.memory_space<hbm>>
      tpu.wait_indirect_dma semaphore(%arg7 : memref<!tpu.dma_semaphore, #tpu.memory_space<semaphore_mem>>) src(%dma_wait3A_795 : memref<1000000x32xf32, #tpu.memory_space<hbm>>) dst(%dma_wait3A_789 : memref<128x32xf32, #tpu.memory_space<vmem>>)
      %dma_wait3A_796 = arith.constant 1 : i32
      %dma_wait3A_797 = arith.constant 12 : i32
      %dma_wait3A_798 = arith.constant 0 : i32
      %dma_wait3A_799 = arith.constant 0 : i32
      %dma_wait3A_800 = tpu.memref_slice %arg6[%dma_wait3A_796, %dma_wait3A_797, %dma_wait3A_798, %dma_wait3A_799] : memref<2x13x128x32xf32, #tpu.memory_space<vmem>> -> memref<1x1x128x32xf32, #tpu.memory_space<vmem>>
      %dma_wait3A_801 = tpu.memref_squeeze %dma_wait3A_800 : memref<1x1x128x32xf32, #tpu.memory_space<vmem>> -> memref<128x32xf32, #tpu.memory_space<vmem>>
      %dma_wait3A_802 = arith.constant 0 : i32
      %dma_wait3A_803 = tpu.memref_slice %arg5[%add3A_639, %dma_wait3A_802] : memref<104x128xi32, #tpu.memory_space<vmem>> -> memref<1x128xi32, #tpu.memory_space<vmem>>
      %dma_wait3A_804 = tpu.memref_squeeze %dma_wait3A_803 : memref<1x128xi32, #tpu.memory_space<vmem>> -> memref<128xi32, #tpu.memory_space<vmem>>
      %dma_wait3A_805 = arith.constant 0 : i32
      %dma_wait3A_806 = arith.constant 0 : i32
      %dma_wait3A_807 = tpu.memref_slice %arg2[%dma_wait3A_805, %dma_wait3A_806] : memref<1000000x32xf32, #tpu.memory_space<hbm>> -> memref<1000000x32xf32, #tpu.memory_space<hbm>>
      tpu.wait_indirect_dma semaphore(%arg7 : memref<!tpu.dma_semaphore, #tpu.memory_space<semaphore_mem>>) src(%dma_wait3A_807 : memref<1000000x32xf32, #tpu.memory_space<hbm>>) dst(%dma_wait3A_801 : memref<128x32xf32, #tpu.memory_space<vmem>>)
      %mul3A_808 = arith.constant 13 : i32
      %mul3A_809 = arith.muli %add3A_436, %mul3A_808 : i32
      %add3A_810 = arith.addi %mul3A_2, %mul3A_809 : i32
      %dma_start3A_811 = arith.constant 1 : i32
      %dma_start3A_812 = arith.constant 0 : i32
      %dma_start3A_813 = arith.constant 0 : i32
      %dma_start3A_814 = arith.constant 0 : i32
      %dma_start3A_815 = tpu.memref_slice %arg6[%dma_start3A_811, %dma_start3A_812, %dma_start3A_813, %dma_start3A_814] : memref<2x13x128x32xf32, #tpu.memory_space<vmem>> -> memref<1x13x128x32xf32, #tpu.memory_space<vmem>>
      %dma_start3A_816 = tpu.memref_squeeze %dma_start3A_815 : memref<1x13x128x32xf32, #tpu.memory_space<vmem>> -> memref<13x128x32xf32, #tpu.memory_space<vmem>>
      %dma_start3A_817 = arith.constant 0 : i32
      %dma_start3A_818 = arith.constant 0 : i32
      %dma_start3A_819 = tpu.memref_slice %arg4[%add3A_810, %dma_start3A_817, %dma_start3A_818] : memref<3328x128x32xf32, #tpu.memory_space<hbm>> -> memref<13x128x32xf32, #tpu.memory_space<hbm>>
      %dma_start3A_820 = arith.constant 0 : i32
      %dma_start3A_821 = arith.constant 0 : i32
      %dma_start3A_822 = tpu.memref_slice %arg4[%add3A_810, %dma_start3A_820, %dma_start3A_821] : memref<3328x128x32xf32, #tpu.memory_space<hbm>> -> memref<13x128x32xf32, #tpu.memory_space<hbm>>
      %dma_start3A_823 = arith.constant 0 : i32
      %dma_start3A_824 = arith.constant 0 : i32
      %dma_start3A_825 = arith.constant 0 : i32
      %dma_start3A_826 = tpu.memref_slice %arg6[%dma_start3A_811, %dma_start3A_823, %dma_start3A_824, %dma_start3A_825] : memref<2x13x128x32xf32, #tpu.memory_space<vmem>> -> memref<1x13x128x32xf32, #tpu.memory_space<vmem>>
      %dma_start3A_827 = tpu.memref_squeeze %dma_start3A_826 : memref<1x13x128x32xf32, #tpu.memory_space<vmem>> -> memref<13x128x32xf32, #tpu.memory_space<vmem>>
      tpu.enqueue_dma source(%dma_start3A_827 : memref<13x128x32xf32, #tpu.memory_space<vmem>>) target(%dma_start3A_822 : memref<13x128x32xf32, #tpu.memory_space<hbm>>) target_semaphore(%arg9 : memref<!tpu.dma_semaphore, #tpu.memory_space<semaphore_mem>>)
    }
    %scan3A_6 = arith.constant 4 : i32
    %dma_wait3A = arith.constant 0 : i32
    %dma_wait3A_7 = arith.constant 0 : i32
    %dma_wait3A_8 = arith.constant 0 : i32
    %dma_wait3A_9 = arith.constant 0 : i32
    %dma_wait3A_10 = tpu.memref_slice %arg6[%dma_wait3A, %dma_wait3A_7, %dma_wait3A_8, %dma_wait3A_9] : memref<2x13x128x32xf32, #tpu.memory_space<vmem>> -> memref<1x13x128x32xf32, #tpu.memory_space<vmem>>
    %dma_wait3A_11 = tpu.memref_squeeze %dma_wait3A_10 : memref<1x13x128x32xf32, #tpu.memory_space<vmem>> -> memref<13x128x32xf32, #tpu.memory_space<vmem>>
    %dma_wait3A_12 = arith.constant 0 : i32
    %dma_wait3A_13 = arith.constant 0 : i32
    %dma_wait3A_14 = tpu.memref_slice %arg4[%mul3A_2, %dma_wait3A_12, %dma_wait3A_13] : memref<3328x128x32xf32, #tpu.memory_space<hbm>> -> memref<13x128x32xf32, #tpu.memory_space<hbm>>
    %dma_wait3A_15 = arith.constant 0 : i32
    %dma_wait3A_16 = arith.constant 0 : i32
    %dma_wait3A_17 = tpu.memref_slice %arg4[%mul3A_2, %dma_wait3A_15, %dma_wait3A_16] : memref<3328x128x32xf32, #tpu.memory_space<hbm>> -> memref<13x128x32xf32, #tpu.memory_space<hbm>>
    %dma_wait3A_18 = arith.constant 0 : i32
    %dma_wait3A_19 = arith.constant 0 : i32
    %dma_wait3A_20 = arith.constant 0 : i32
    %dma_wait3A_21 = tpu.memref_slice %arg6[%dma_wait3A, %dma_wait3A_18, %dma_wait3A_19, %dma_wait3A_20] : memref<2x13x128x32xf32, #tpu.memory_space<vmem>> -> memref<1x13x128x32xf32, #tpu.memory_space<vmem>>
    %dma_wait3A_22 = tpu.memref_squeeze %dma_wait3A_21 : memref<1x13x128x32xf32, #tpu.memory_space<vmem>> -> memref<13x128x32xf32, #tpu.memory_space<vmem>>
    tpu.wait_dma2 semaphore(%arg8 : memref<!tpu.dma_semaphore, #tpu.memory_space<semaphore_mem>>) src(%dma_wait3A_22 : memref<13x128x32xf32, #tpu.memory_space<vmem>>) dst(%dma_wait3A_17 : memref<13x128x32xf32, #tpu.memory_space<hbm>>)
    %dma_wait3A_23 = arith.constant 1 : i32
    %dma_wait3A_24 = arith.constant 0 : i32
    %dma_wait3A_25 = arith.constant 0 : i32
    %dma_wait3A_26 = arith.constant 0 : i32
    %dma_wait3A_27 = tpu.memref_slice %arg6[%dma_wait3A_23, %dma_wait3A_24, %dma_wait3A_25, %dma_wait3A_26] : memref<2x13x128x32xf32, #tpu.memory_space<vmem>> -> memref<1x13x128x32xf32, #tpu.memory_space<vmem>>
    %dma_wait3A_28 = tpu.memref_squeeze %dma_wait3A_27 : memref<1x13x128x32xf32, #tpu.memory_space<vmem>> -> memref<13x128x32xf32, #tpu.memory_space<vmem>>
    %dma_wait3A_29 = arith.constant 0 : i32
    %dma_wait3A_30 = arith.constant 0 : i32
    %dma_wait3A_31 = tpu.memref_slice %arg4[%mul3A_2, %dma_wait3A_29, %dma_wait3A_30] : memref<3328x128x32xf32, #tpu.memory_space<hbm>> -> memref<13x128x32xf32, #tpu.memory_space<hbm>>
    %dma_wait3A_32 = arith.constant 0 : i32
    %dma_wait3A_33 = arith.constant 0 : i32
    %dma_wait3A_34 = tpu.memref_slice %arg4[%mul3A_2, %dma_wait3A_32, %dma_wait3A_33] : memref<3328x128x32xf32, #tpu.memory_space<hbm>> -> memref<13x128x32xf32, #tpu.memory_space<hbm>>
    %dma_wait3A_35 = arith.constant 0 : i32
    %dma_wait3A_36 = arith.constant 0 : i32
    %dma_wait3A_37 = arith.constant 0 : i32
    %dma_wait3A_38 = tpu.memref_slice %arg6[%dma_wait3A_23, %dma_wait3A_35, %dma_wait3A_36, %dma_wait3A_37] : memref<2x13x128x32xf32, #tpu.memory_space<vmem>> -> memref<1x13x128x32xf32, #tpu.memory_space<vmem>>
    %dma_wait3A_39 = tpu.memref_squeeze %dma_wait3A_38 : memref<1x13x128x32xf32, #tpu.memory_space<vmem>> -> memref<13x128x32xf32, #tpu.memory_space<vmem>>
    tpu.wait_dma2 semaphore(%arg9 : memref<!tpu.dma_semaphore, #tpu.memory_space<semaphore_mem>>) src(%dma_wait3A_39 : memref<13x128x32xf32, #tpu.memory_space<vmem>>) dst(%dma_wait3A_34 : memref<13x128x32xf32, #tpu.memory_space<hbm>>)
    return
  }
}

</mosaic_0001>

<sc_bundles>
// kernel: kernel.3.cloned.1.call-start
scs
__scs_entry_jumppad:
0x0: {  	(pc) =	sbr.rel $0x88, $3  }
0x1: {  	(tag) =	ssettag $0x0;
	lr =	simm.s32 $0x1  }
0x2: {  	[smem:$0x3F9F] =	sst lr;
	_ =	strace $0xD0000000  }
0x3: {  	_ = 	snop  }
0x4: {  	_ = 	snop  }
0x5: {  	_ = 	snop  }
0x6: {  	_ = 	snop  }
0x7: {  	_ = 	snop  }
__scs_overlays_trampoline_lowered:
0x8: {  	[smem:$0x3FAE] =	sst s0  }
0x9: {  	[smem:$0x3FAF] =	sst s1  }
0xa: {  	[smem:$0x3FB0] =	sst s2  }
0xb: {  	[smem:$0x3FB1] =	sst s3  }
0xc: {  	[smem:$0x3FB2] =	sst s4  }
0xd: {  	[smem:$0x3FB3] =	sst s5  }
0xe: {  	[smem:$0x3FB4] =	sst s6  }
0xf: {  	[smem:$0x3FB5] =	sst s7  }
0x10: {  	[smem:$0x3FB6] =	sst s8  }
0x11: {  	[smem:$0x3FB7] =	sst s9;
	s0 =	simm.s32 @!p0 $0x0  }
0x12: {  	s1 =	sld [smem:$0x3F9D];
	s0 =	simm.s32 @p0 $0x1  }
0x13: {  	[smem:$0x3FB8] =	sst s0;
	s0 =	simm.s32 @!p1 $0x0  }
0x14: {  	s2 =	sld [smem:$0x3F9C];
	s0 =	simm.s32 @p1 $0x1  }
0x15: {  	[smem:$0x3FB9] =	sst s0;
	s0 =	simm.s32 @!p2 $0x0  }
0x16: {  	s3 =	sld [smem:$0x3FDB];
	s0 =	simm.s32 @p2 $0x1  }
0x17: {  	s4 =	simm.s32 $0x1BF5;
	[smem:$0x3FBB] =	sst s0  }
0x18: {  	s0 =	sld [smem:$0x3F9E];
	_ =	swait.ge [sflag:s4], $0x0  }
0x19: {  	s7 =	sld [smem:$0x3F9F]  }
0x1a: {  	s8 =	sadd.s32 $0xFFFFE003, lr  }
0x1b: {  	s9 =	sadd.s32 $0xFFFFFEF7, lr;
	s5 =	simm.s32 $0xFFFFFFFF;
	p2 =	slt.u32 s8, $0xFFFFF086  }
0x1c: {  	p1 =	slt.u32 s9, $0xF7A;
	s5 =	simm.s32 @!p2 $0x0  }
0x1d: {  	s5 =	simm.s32 @p1 $0x1;
	p0 =	seq.s32 s7, s2  }
0x1e: {  	s7 =	smul.u32 @!p0 $0xF7A, s2;
	p2 =	seq.s32 @!p0 s5, $0x0  }
0x1f: {  	s9 =	smul.u32 $0xF7A, s1;
	s8 =	simm.s32 @!p0 $0x1BF5;
	p2 =	por !p2, p0  }
0x20: {  	[sflag:s8] =	ssyncset.s32 @!p0 $0xFFFFF086;
	s6 =	sadd.s32 @!p0 s3, s7;
	s7 =	simm.s32 @!p0 $0x108  }
0x21: {  	s3 =	sadd.s32 s3, s9;
	s6 =	sadd.s32 @!p0 $0x88, s6;
	s7 =	simm.s32 @p2 $0x1082  }
0x22: {  	[simem:s7], [sflag:s8] =	dma.local @!p0 [hbm:s6], $0xF7A  }
0x23: {  	s9 =	sor.u32 $0xD0000000, s2;
	s6 =	simm.s32 $0x108;
	_ =	swait.ge @!p0 [sflag:s8], $0x0  }
0x24: {  	s3 =	sadd.s32 $0x88, s3;
	s6 =	simm.s32 @!p1 $0x1082;
	[sflag:s4] =	ssyncset.s32 $0xFFFFF086  }
0x25: {  	[simem:s6], [sflag:s4] =	dma.local [hbm:s3], $0xF7A  }
0x26: {  	[smem:$0x3F9F] =	sst s1;
	(tag) =	ssettag s2;
	_ =	strace s9  }
0x27: {  	s1 =	sld [smem:$0x3FAF]  }
0x28: {  	s2 =	sld [smem:$0x3FB0]  }
0x29: {  	s4 =	sld [smem:$0x3FB2]  }
0x2a: {  	p0 =	seq.s32 s5, $0x0;
	s5 =	sld [smem:$0x3FB3]  }
0x2b: {  	s6 =	sld [smem:$0x3FB4]  }
0x2c: {  	s7 =	sld [smem:$0x3FB5]  }
0x2d: {  	s3 =	simm.s32 $0x108;
	s8 =	sld [smem:$0x3FB6]  }
0x2e: {  	s3 =	simm.s32 @!p0 $0x1082;
	s9 =	sld [smem:$0x3FB7]  }
0x2f: {  	lr =	sadd.s32 s0, s3;
	s0 =	sld [smem:$0x3FAE]  }
0x30: {  	s3 =	sld [smem:$0x3FB1]  }
0x31: {  	[smem:$0x3FBA] =	sst s10  }
0x32: {  	s10 =	sld [smem:$0x3FB8];
	_ =	sdelay $0x3  }
0x33: {  	p0 =	seq.s32 s10, $0x1;
	s10 =	sld [smem:$0x3FBA];
	_ =	sdelay $0x3  }
0x34: {  	[smem:$0x3FBA] =	sst s10  }
0x35: {  	s10 =	sld [smem:$0x3FB9];
	_ =	sdelay $0x3  }
0x36: {  	p1 =	seq.s32 s10, $0x1;
	s10 =	sld [smem:$0x3FBA];
	_ =	sdelay $0x3  }
0x37: {  	[smem:$0x3FBA] =	sst s10  }
0x38: {  	s10 =	sld [smem:$0x3FBB]  }
0x39: {  	_ = 	snop;
	(pc) =	sbr.ind lr, $3  }
0x3a: {  	_ = 	snop  }
0x3b: {  	_ = 	snop  }
0x3c: {  	p2 =	seq.s32 s10, $0x1;
	s10 =	sld [smem:$0x3FBA]  }
0x3d: {  	_ =	shalt  }
0x3e: {  	_ =	shalt  }
0x3f: {  	_ =	shalt  }
0x40: {  	_ =	shalt  }
0x41: {  	_ =	shalt  }
0x42: {  	_ =	shalt  }
0x43: {  	_ =	shalt  }
0x44: {  	_ =	shalt  }
0x45: {  	_ =	shalt  }
0x46: {  	_ =	shalt  }
0x47: {  	_ =	shalt  }
0x48: {  	_ =	shalt  }
0x49: {  	_ =	shalt  }
0x4a: {  	_ =	shalt  }
0x4b: {  	_ =	shalt  }
0x4c: {  	_ =	shalt  }
0x4d: {  	_ =	shalt  }
0x4e: {  	_ =	shalt  }
0x4f: {  	_ =	shalt  }
0x50: {  	_ =	shalt  }
0x51: {  	_ =	shalt  }
0x52: {  	_ =	shalt  }
0x53: {  	_ =	shalt  }
0x54: {  	_ =	shalt  }
0x55: {  	_ =	shalt  }
0x56: {  	_ =	shalt  }
0x57: {  	_ =	shalt  }
0x58: {  	_ =	shalt  }
0x59: {  	_ =	shalt  }
0x5a: {  	_ =	shalt  }
0x5b: {  	_ =	shalt  }
0x5c: {  	_ =	shalt  }
0x5d: {  	_ =	shalt  }
0x5e: {  	_ =	shalt  }
0x5f: {  	_ =	shalt  }
0x60: {  	_ =	shalt  }
0x61: {  	_ =	shalt  }
0x62: {  	_ =	shalt  }
0x63: {  	_ =	shalt  }
0x64: {  	_ =	shalt  }
0x65: {  	_ =	shalt  }
0x66: {  	_ =	shalt  }
0x67: {  	_ =	shalt  }
0x68: {  	_ =	shalt  }
0x69: {  	_ =	shalt  }
0x6a: {  	_ =	shalt  }
0x6b: {  	_ =	shalt  }
0x6c: {  	_ =	shalt  }
0x6d: {  	_ =	shalt  }
0x6e: {  	_ =	shalt  }
0x6f: {  	_ =	shalt  }
0x70: {  	_ =	shalt  }
0x71: {  	_ =	shalt  }
0x72: {  	_ =	shalt  }
0x73: {  	_ =	shalt  }
0x74: {  	_ =	shalt  }
0x75: {  	_ =	shalt  }
0x76: {  	_ =	shalt  }
0x77: {  	_ =	shalt  }
0x78: {  	_ =	shalt  }
0x79: {  	_ =	shalt  }
0x7a: {  	_ =	shalt  }
0x7b: {  	_ =	shalt  }
0x7c: {  	_ =	shalt  }
0x7d: {  	_ =	shalt  }
0x7e: {  	_ =	shalt  }
0x7f: {  	_ =	shalt  }
0x80: {  	_ =	shalt  }
0x81: {  	_ =	shalt  }
0x82: {  	_ =	shalt  }
0x83: {  	_ =	shalt  }
0x84: {  	_ =	shalt  }
0x85: {  	_ =	shalt  }
0x86: {  	_ =	shalt  }
0x87: {  	_ =	shalt  }
.Lfunc_end0:
.L_simem_size_0:
called_computation.1_lowered:
.L_overlay_start_0:
0x88: {  	s2 =	sld [smem:$0x3FD9]  }
0x89: {  	s3 =	sld [smem:$0x3FFE];
	_ =	sdelay $0x1  }
0x8a: {  	s1 =	srdreg.scid  }
0x8b: {  	s0 =	sand.u32 $0x1, s1  }
0x8c: {  	s17 =	sshll.u32 s0, $0xA;
	s2 =	sadd.s32 s3, s2  }
0x8d: {  	s2 =	sadd.s32 s2, s17  }
0x8e: {  	[smem:$0x3FC6] =	sst s2  }
0x8f: {  	_ = 	snop  }
0x90: {  	s2 =	sld [smem:$0x3FD0];
	(tm) =	ssettm $0x1  }
0x91: {  	s18 =	sld [smem:$0x3FFB];
	_ =	sdelay $0x3  }
0x92: {  	_ =	strace s18  }
0x93: {  	s3 =	sld [smem:$0x3FFC];
	_ =	sdelay $0x3  }
0x94: {  	_ =	strace s3  }
0x95: {  	s3 =	sld [smem:$0x3FFD];
	_ =	sdelay $0x3  }
0x96: {  	_ =	strace s3  }
0x97: {  	_ =	strace $0x8FFFFFFF  }
0x98: {  	s19 =	sld [smem:$0x3FDB];
	_ =	sdelay $0x1  }
0x99: {  	s4 =	simm.s32 $_scs_section_size  }
0x9a: {  	s5 =	simm.s32 $_size__tile_overlayer_lowered;
	s6 =	simm.s32 $_tile_overlayer_lowered  }
0x9b: {  	s22 =	simm.s32 $0x1BFF;
	s21 =	sshll.u32 s6, $0x1;
	s3 =	sadd.s32 s4, s19  }
0x9c: {  	s7 =	simm.s32 $0x0;
	s20 =	sshll.u32 s5, $0x1;
	s5 =	sadd.s32 s21, s3  }
0x9d: {  	[timem:s7], [sflag:s22] =	dma.local [hbm:s5], s20  }
0x9e: {  	_ =	swait.ge [sflag:s22], s20  }
0x9f: {  	s4 =	ssub.s32 $0x0, s20;
	[sflag:s22] =	ssyncset.done $0x0  }
0xa0: {  	[sflag:s22] =	ssyncadd.s32 s4;
	_ =	sdelay $0x1  }
0xa1: {  	s23 =	simm.s32 $0x1B8B  }
0xa2: {  	_ =	swait.ge [sflag:s23], $0x1  }
0xa3: {  	[sflag:s23] =	ssyncset.done $0x0  }
0xa4: {  	s25 =	simm.s32 $0x1B8E;
	s24 =	sld [smem:$0x3FFE];
	[sflag:s23] =	ssyncadd.s32 $0xFFFFFFFF  }
0xa5: {  	s26 =	simm.s32 $execute0_lowered;
	[smem:$0x3FD2] =	sst s25  }
0xa6: {  	s5 =	sshll.u32 s26, $0x1;
	_ =	strace $0x80000046;
	[dreg:$0x1] =	wrdreg $0xFFFFFFFF  }
0xa7: {  	s28 =	simm.s32 $_size_execute0_lowered;
	s3 =	sadd.s32 s3, s5;
	[dreg:$0x0] =	wrdreg $0x0  }
0xa8: {  	s5 =	sshll.u32 s28, $0x1;
	[dreg:$0x2] =	wrdreg s3  }
0xa9: {  	[dreg:$0x3] =	wrdreg s5  }
0xaa: {  	[dreg:$0x4] =	wrdreg $0xC0  }
0xab: {  	_ =	task [dreg:s7], $0x5FFFF  }
0xac: {  	[dreg:$0x1] =	wrdreg $0xFFFFFFFF  }
0xad: {  	[dreg:$0x0] =	wrdreg $0x60  }
0xae: {  	[dreg:$0x2] =	wrdreg s24  }
0xaf: {  	[dreg:$0x3] =	wrdreg s2  }
0xb0: {  	[dreg:$0x4] =	wrdreg $0x9  }
0xb1: {  	_ =	task.clear_ibuf [dreg:s7], $0x5FFFF;
	_ =	strace $0x90000046  }
0xb2: {  	s29 =	simm.s32 $0x9;
	_ =	strace $0x80000048  }
0xb3: {  	_ =	swait.ge [sflag:s29], $0x1  }
0xb4: {  	[sflag:s29] =	ssyncadd.s32 $0xFFFFFFFF  }
0xb5: {  	_ =	strace $0x90000048  }
0xb6: {  	_ =	sfence  }
0xb7: {  	s30 =	sld [smem:$0x0];
	_ =	sdelay $0x2  }
0xb8: {  	s31 =	sshll.u32 s1, $0xD;
	s1 =	sshrl.u32 s1, $0x2  }
0xb9: {  	s3 =	sand.u32 $0x4000, s31;
	s1 =	sadd.s32 s1, s30  }
0xba: {  	s0 =	sor.u32 s3, s0;
	s1 =	sshll.u32 s1, $0x11  }
0xbb: {  	s0 =	sor.u32 s1, s0  }
0xbc: {  	s0 =	sadd.s32 $0x8F2B, s0  }
0xbd: {  	[sflag:s0] =	ssyncadd.remote.s32 $0x1  }
0xbe: {  	_ =	sfence.sel $0xFFFF  }
0xbf: {  	[dreg:$0x0] =	wrdreg $0xFFFFFFFF;
	(pc) =	sbr.abs _section_cstart, $3  }
0xc0: {  	[dreg:$0x1] =	wrdreg $0xFFFFFFFF  }
0xc1: {  	_ =	task.clear_ibuf [dreg:s7], $0x2FFFF;
	_ =	strace $0x9FFFFFFF  }
0xc2: {  	(tm) =	ssettm $0x7FFFFFFF  }
0xc3: {  	_ =	shalt  }
tec
execute0_lowered:
.L_overlay_start_1:
0x0: {  	(tag) =	ssettag $0x1  }
0x1: {  	s1 =	srdreg.scid;
	s0 =	stileid.u32  }
0x2: {  	s4 =	sand.u32 $0x1, s1;
	s2 =	smul.u32 $0xD0, s0  }
0x3: {  	s5 =	rddreg [dreg:$0x0];
	s3 =	smul.u32 $0x68, s4  }
0x4: {  	s6 =	rddreg [dreg:$0x1]  }
0x5: {  	s1 =	rddreg [dreg:$0x2];
	s3 =	sadd.s32 s3, s2;
	s2 =	simm.s32 $0x0  }
0x6: {  	s9 =	simm.s32 $0x6400;
	[smem:$0x7FF] =	sst s2  }
0x7: {  	s10 =	simm.s32 $0x7400;
	_ =	strace $0x80000047;
	[dreg:$0x7] =	wrdreg s9  }
0x8: {  	s11 =	simm.s32 $0x8400;
	[dreg:$0x8] =	wrdreg s10  }
0x9: {  	s12 =	simm.s32 $0x9400;
	[dreg:$0x9] =	wrdreg s11  }
0xa: {  	s13 =	simm.s32 $0xA400;
	[dreg:$0xa] =	wrdreg s12  }
0xb: {  	s14 =	simm.s32 $0xB400;
	[dreg:$0xb] =	wrdreg s13  }
0xc: {  	s15 =	simm.s32 $0xC400;
	[dreg:$0xc] =	wrdreg s14  }
0xd: {  	s16 =	simm.s32 $0xD400;
	[dreg:$0xd] =	wrdreg s15  }
0xe: {  	s17 =	simm.s32 $0xE400;
	[dreg:$0xe] =	wrdreg s16  }
0xf: {  	s19 =	simm.s32 $0xF400;
	[dreg:$0xf] =	wrdreg s17  }
0x10: {  	s20 =	simm.s32 $0x11400;
	[dreg:$0x10] =	wrdreg s19  }
0x11: {  	s21 =	simm.s32 $0x12400;
	[dreg:$0x11] =	wrdreg s20  }
0x12: {  	s22 =	simm.s32 $0x13400;
	[dreg:$0x12] =	wrdreg s21  }
0x13: {  	s23 =	simm.s32 $0x14400;
	[dreg:$0x13] =	wrdreg s22  }
0x14: {  	s24 =	simm.s32 $0x15400;
	s26 =	simm.s32 $0x16400;
	[dreg:$0x14] =	wrdreg s23  }
0x15: {  	s28 =	simm.s32 $0x17400;
	s29 =	simm.s32 $0x18400;
	[dreg:$0x15] =	wrdreg s24  }
0x16: {  	s30 =	simm.s32 $0x19400;
	s31 =	simm.s32 $0x1A400;
	[dreg:$0x16] =	wrdreg s26  }
0x17: {  	s7 =	smul.u32 $0x1A000, s0;
	s18 =	sshll.u32 s0, $0x1;
	[dreg:$0x17] =	wrdreg s28  }
0x18: {  	s8 =	smul.u32 $0xD000, s4;
	s3 =	sshll.u32 s3, $0x9;
	[dreg:$0x18] =	wrdreg s29  }
0x19: {  	s3 =	sadd.s32 s6, s3;
	s6 =	sadd.s32 s7, s6;
	[dreg:$0x19] =	wrdreg s30  }
0x1a: {  	s7 =	simm.s32 $0x4400;
	[dreg:$0x1a] =	wrdreg s31;
	s9 =	simm.s32 $0x1B400  }
0x1b: {  	s11 =	simm.s32 $0x1C400;
	s10 =	simm.s32 $0x10400;
	[dreg:$0x5] =	wrdreg s7  }
0x1c: {  	s12 =	simm.s32 $0x3;
	s13 =	simm.s32 $0x0;
	[dreg:$0x1b] =	wrdreg s9  }
0x1d: {  	s3 =	sadd.s32 $0x1A00, s3;
	s6 =	sadd.s32 s8, s6;
	[dreg:$0x1c] =	wrdreg s11  }
0x1e: {  	s8 =	simm.s32 $0x5400;
	s9 =	simm.s32 $0x1;
	[dreg:$0x3] =	wrdreg s3  }
0x1f: {  	s11 =	simm.s32 $0x2;
	[dreg:$0x4] =	wrdreg s6;
	s6 =	sor.u32 s4, s18  }
0x20: {  	[dreg:$0x6] =	wrdreg s8;
	s4 =	ssub.s32 $0x2, s4;
	s6 =	smul.u32 $0x680, s6  }
0x21: {  	s3 =	sadd.s32 $0xF42E00, s5;
	s8 =	simm.s32 $0x3400;
	s25 =	sshrl.u32 s4, $0x1  }
0x22: {  	s7 =	ssub.s32 s4, s25;
	s5 =	sadd.s32 s6, s5;
	s6 =	simm.s32 $0x4  }
0x23: {  	s4 =	sadd.s32 $0xA00, s5;
	s5 =	smax.u32 s7, $0x1;
	s7 =	simm.s32 $0x80  }
.LBB2_1:
0x24: {  	[tilespmem:s2], [sflag:$0x4] =	stream.linear.gather [hbm4b:s4+s2], $0x3400, $0x38;
	[tilespmem:$0x1D400] =	vst v63  }
0x25: {  	_ =	swait.ge [sflag:s6], $0x3400  }
0x26: {  	p0 =	por $0x1, $0x1;
	[sflag:s6] =	ssyncset.done $0x0  }
0x27: {  	s14 =	simm.s32 @!p0 $0x2;
	[sflag:s6] =	ssyncadd.s32 $0xFFFFCC00  }
0x28: {  	_ =	swait.ge @!p0 [sflag:s14], $0xD000  }
0x29: {  	[sflag:s14] =	ssyncset.done @!p0 $0x0  }
0x2a: {  	s25 =	simm.s32 $0x0;
	[sflag:s14] =	ssyncadd.s32 @!p0 $0xFFFF3000  }
0x2b: {  	[tilespmem:s8], [sflag:$0x1] =	stream.indirect.gather [hbm4b:s3+s7], $0x20, s25, s7, $0xb8;
	[tilespmem:$0x1D400] =	vst v63  }
0x2c: {  	s26 =	simm.s32 $0x80;
	s15 =	rddreg [dreg:$0x5]  }
0x2d: {  	[tilespmem:s15], [sflag:$0x1] =	stream.indirect.gather [hbm4b:s3+s7], $0x20, s26, s7, $0xb8;
	[tilespmem:$0x1D400] =	vst v63  }
0x2e: {  	s28 =	simm.s32 $0x100;
	s16 =	rddreg [dreg:$0x6]  }
0x2f: {  	[tilespmem:s16], [sflag:$0x1] =	stream.indirect.gather [hbm4b:s3+s7], $0x20, s28, s7, $0xb8;
	[tilespmem:$0x1D400] =	vst v63  }
0x30: {  	s30 =	simm.s32 $0x180;
	s29 =	rddreg [dreg:$0x7]  }
0x31: {  	[tilespmem:s29], [sflag:$0x1] =	stream.indirect.gather [hbm4b:s3+s7], $0x20, s30, s7, $0xb8;
	[tilespmem:$0x1D400] =	vst v63  }
0x32: {  	s17 =	simm.s32 $0x200;
	s31 =	rddreg [dreg:$0x8]  }
0x33: {  	[tilespmem:s31], [sflag:$0x1] =	stream.indirect.gather [hbm4b:s3+s7], $0x20, s17, s7, $0xb8;
	[tilespmem:$0x1D400] =	vst v63  }
0x34: {  	s19 =	simm.s32 $0x280;
	s18 =	rddreg [dreg:$0x9]  }
0x35: {  	[tilespmem:s18], [sflag:$0x1] =	stream.indirect.gather [hbm4b:s3+s7], $0x20, s19, s7, $0xb8;
	[tilespmem:$0x1D400] =	vst v63  }
0x36: {  	s21 =	simm.s32 $0x300;
	s20 =	rddreg [dreg:$0xa]  }
0x37: {  	[tilespmem:s20], [sflag:$0x1] =	stream.indirect.gather [hbm4b:s3+s7], $0x20, s21, s7, $0xb8;
	[tilespmem:$0x1D400] =	vst v63  }
0x38: {  	s23 =	simm.s32 $0x380;
	s22 =	rddreg [dreg:$0xb]  }
0x39: {  	[tilespmem:s22], [sflag:$0x1] =	stream.indirect.gather [hbm4b:s3+s7], $0x20, s23, s7, $0xb8;
	[tilespmem:$0x1D400] =	vst v63  }
0x3a: {  	s24 =	rddreg [dreg:$0xc];
	s25 =	simm.s32 $0x400  }
0x3b: {  	[tilespmem:s24], [sflag:$0x1] =	stream.indirect.gather [hbm4b:s3+s7], $0x20, s25, s7, $0xb8;
	[tilespmem:$0x1D400] =	vst v63  }
0x3c: {  	s26 =	rddreg [dreg:$0xd];
	s28 =	simm.s32 $0x480  }
0x3d: {  	[tilespmem:s26], [sflag:$0x1] =	stream.indirect.gather [hbm4b:s3+s7], $0x20, s28, s7, $0xb8;
	[tilespmem:$0x1D400] =	vst v63  }
0x3e: {  	s29 =	rddreg [dreg:$0xe];
	s30 =	simm.s32 $0x500  }
0x3f: {  	[tilespmem:s29], [sflag:$0x1] =	stream.indirect.gather [hbm4b:s3+s7], $0x20, s30, s7, $0xb8;
	[tilespmem:$0x1D400] =	vst v63  }
0x40: {  	s31 =	rddreg [dreg:$0xf];
	s17 =	simm.s32 $0x580  }
0x41: {  	[tilespmem:s31], [sflag:$0x1] =	stream.indirect.gather [hbm4b:s3+s7], $0x20, s17, s7, $0xb8;
	[tilespmem:$0x1D400] =	vst v63  }
0x42: {  	s18 =	rddreg [dreg:$0x10];
	s19 =	simm.s32 $0x600  }
0x43: {  	[tilespmem:s18], [sflag:$0x1] =	stream.indirect.gather [hbm4b:s3+s7], $0x20, s19, s7, $0xb8;
	[tilespmem:$0x1D400] =	vst v63  }
0x44: {  	_ =	swait.ge [sflag:s9], $0x1000  }
0x45: {  	[sflag:s9] =	ssyncset.done $0x0  }
0x46: {  	[sflag:s9] =	ssyncadd.s32 $0xFFFFF000  }
0x47: {  	_ =	swait.ge [sflag:s9], $0x1000  }
0x48: {  	[sflag:s9] =	ssyncset.done $0x0  }
0x49: {  	[sflag:s9] =	ssyncadd.s32 $0xFFFFF000  }
0x4a: {  	_ =	swait.ge [sflag:s9], $0x1000  }
0x4b: {  	[sflag:s9] =	ssyncset.done $0x0  }
0x4c: {  	[sflag:s9] =	ssyncadd.s32 $0xFFFFF000  }
0x4d: {  	_ =	swait.ge [sflag:s9], $0x1000  }
0x4e: {  	[sflag:s9] =	ssyncset.done $0x0  }
0x4f: {  	[sflag:s9] =	ssyncadd.s32 $0xFFFFF000  }
0x50: {  	_ =	swait.ge [sflag:s9], $0x1000  }
0x51: {  	[sflag:s9] =	ssyncset.done $0x0  }
0x52: {  	[sflag:s9] =	ssyncadd.s32 $0xFFFFF000  }
0x53: {  	_ =	swait.ge [sflag:s9], $0x1000  }
0x54: {  	[sflag:s9] =	ssyncset.done $0x0  }
0x55: {  	[sflag:s9] =	ssyncadd.s32 $0xFFFFF000  }
0x56: {  	_ =	swait.ge [sflag:s9], $0x1000  }
0x57: {  	[sflag:s9] =	ssyncset.done $0x0  }
0x58: {  	[sflag:s9] =	ssyncadd.s32 $0xFFFFF000  }
0x59: {  	_ =	swait.ge [sflag:s9], $0x1000  }
0x5a: {  	[sflag:s9] =	ssyncset.done $0x0  }
0x5b: {  	[sflag:s9] =	ssyncadd.s32 $0xFFFFF000  }
0x5c: {  	_ =	swait.ge [sflag:s9], $0x1000  }
0x5d: {  	[sflag:s9] =	ssyncset.done $0x0  }
0x5e: {  	[sflag:s9] =	ssyncadd.s32 $0xFFFFF000  }
0x5f: {  	_ =	swait.ge [sflag:s9], $0x1000  }
0x60: {  	[sflag:s9] =	ssyncset.done $0x0  }
0x61: {  	[sflag:s9] =	ssyncadd.s32 $0xFFFFF000  }
0x62: {  	_ =	swait.ge [sflag:s9], $0x1000  }
0x63: {  	[sflag:s9] =	ssyncset.done $0x0  }
0x64: {  	[sflag:s9] =	ssyncadd.s32 $0xFFFFF000  }
0x65: {  	_ =	swait.ge [sflag:s9], $0x1000  }
0x66: {  	[sflag:s9] =	ssyncset.done $0x0  }
0x67: {  	[sflag:s9] =	ssyncadd.s32 $0xFFFFF000  }
0x68: {  	_ =	swait.ge [sflag:s9], $0x1000  }
0x69: {  	s20 =	rddreg [dreg:$0x4];
	[sflag:s9] =	ssyncset.done $0x0  }
0x6a: {  	s15 =	simm.s32 @!p0 $0x3;
	[sflag:s9] =	ssyncadd.s32 $0xFFFFF000;
	s14 =	sadd.s32 $0x0, s20  }
0x6b: {  	[hbm4b:s14+s2] =	stream.linear.scatter [tilespmem:s8], [sflag:$0x2], $0xD000, $0x38;
	[tilespmem:$0x1D400] =	vst v63  }
0x6c: {  	_ =	swait.ge @!p0 [sflag:s15], $0xD000  }
0x6d: {  	[sflag:s15] =	ssyncset.done @!p0 $0x0  }
0x6e: {  	s21 =	simm.s32 $0x680;
	[sflag:s15] =	ssyncadd.s32 @!p0 $0xFFFF3000  }
0x6f: {  	[tilespmem:s10], [sflag:$0x1] =	stream.indirect.gather [hbm4b:s3+s7], $0x20, s21, s7, $0xb8;
	[tilespmem:$0x1D400] =	vst v63  }
0x70: {  	s23 =	simm.s32 $0x700;
	s22 =	rddreg [dreg:$0x11]  }
0x71: {  	[tilespmem:s22], [sflag:$0x1] =	stream.indirect.gather [hbm4b:s3+s7], $0x20, s23, s7, $0xb8;
	[tilespmem:$0x1D400] =	vst v63  }
0x72: {  	s25 =	simm.s32 $0x780;
	s24 =	rddreg [dreg:$0x12]  }
0x73: {  	[tilespmem:s24], [sflag:$0x1] =	stream.indirect.gather [hbm4b:s3+s7], $0x20, s25, s7, $0xb8;
	[tilespmem:$0x1D400] =	vst v63  }
0x74: {  	s28 =	simm.s32 $0x800;
	s26 =	rddreg [dreg:$0x13]  }
0x75: {  	[tilespmem:s26], [sflag:$0x1] =	stream.indirect.gather [hbm4b:s3+s7], $0x20, s28, s7, $0xb8;
	[tilespmem:$0x1D400] =	vst v63  }
0x76: {  	s30 =	simm.s32 $0x880;
	s29 =	rddreg [dreg:$0x14]  }
0x77: {  	[tilespmem:s29], [sflag:$0x1] =	stream.indirect.gather [hbm4b:s3+s7], $0x20, s30, s7, $0xb8;
	[tilespmem:$0x1D400] =	vst v63  }
0x78: {  	s16 =	simm.s32 $0x900;
	s31 =	rddreg [dreg:$0x15]  }
0x79: {  	[tilespmem:s31], [sflag:$0x1] =	stream.indirect.gather [hbm4b:s3+s7], $0x20, s16, s7, $0xb8;
	[tilespmem:$0x1D400] =	vst v63  }
0x7a: {  	s18 =	simm.s32 $0x980;
	s17 =	rddreg [dreg:$0x16]  }
0x7b: {  	[tilespmem:s17], [sflag:$0x1] =	stream.indirect.gather [hbm4b:s3+s7], $0x20, s18, s7, $0xb8;
	[tilespmem:$0x1D400] =	vst v63  }
0x7c: {  	s20 =	simm.s32 $0xA00;
	s19 =	rddreg [dreg:$0x17]  }
0x7d: {  	[tilespmem:s19], [sflag:$0x1] =	stream.indirect.gather [hbm4b:s3+s7], $0x20, s20, s7, $0xb8;
	[tilespmem:$0x1D400] =	vst v63  }
0x7e: {  	s21 =	rddreg [dreg:$0x18];
	s22 =	simm.s32 $0xA80  }
0x7f: {  	[tilespmem:s21], [sflag:$0x1] =	stream.indirect.gather [hbm4b:s3+s7], $0x20, s22, s7, $0xb8;
	[tilespmem:$0x1D400] =	vst v63  }
0x80: {  	s23 =	rddreg [dreg:$0x19];
	s24 =	simm.s32 $0xB00  }
0x81: {  	[tilespmem:s23], [sflag:$0x1] =	stream.indirect.gather [hbm4b:s3+s7], $0x20, s24, s7, $0xb8;
	[tilespmem:$0x1D400] =	vst v63  }
0x82: {  	s25 =	rddreg [dreg:$0x1a];
	s26 =	simm.s32 $0xB80  }
0x83: {  	[tilespmem:s25], [sflag:$0x1] =	stream.indirect.gather [hbm4b:s3+s7], $0x20, s26, s7, $0xb8;
	[tilespmem:$0x1D400] =	vst v63  }
0x84: {  	s28 =	rddreg [dreg:$0x1b];
	s29 =	simm.s32 $0xC00  }
0x85: {  	[tilespmem:s28], [sflag:$0x1] =	stream.indirect.gather [hbm4b:s3+s7], $0x20, s29, s7, $0xb8;
	[tilespmem:$0x1D400] =	vst v63  }
0x86: {  	s30 =	rddreg [dreg:$0x1c];
	s31 =	simm.s32 $0xC80  }
0x87: {  	[tilespmem:s30], [sflag:$0x1] =	stream.indirect.gather [hbm4b:s3+s7], $0x20, s31, s7, $0xb8;
	[tilespmem:$0x1D400] =	vst v63  }
0x88: {  	_ =	swait.ge [sflag:s9], $0x1000  }
0x89: {  	[sflag:s9] =	ssyncset.done $0x0  }
0x8a: {  	[sflag:s9] =	ssyncadd.s32 $0xFFFFF000  }
0x8b: {  	_ =	swait.ge [sflag:s9], $0x1000  }
0x8c: {  	[sflag:s9] =	ssyncset.done $0x0  }
0x8d: {  	[sflag:s9] =	ssyncadd.s32 $0xFFFFF000  }
0x8e: {  	_ =	swait.ge [sflag:s9], $0x1000  }
0x8f: {  	[sflag:s9] =	ssyncset.done $0x0  }
0x90: {  	[sflag:s9] =	ssyncadd.s32 $0xFFFFF000  }
0x91: {  	_ =	swait.ge [sflag:s9], $0x1000  }
0x92: {  	[sflag:s9] =	ssyncset.done $0x0  }
0x93: {  	[sflag:s9] =	ssyncadd.s32 $0xFFFFF000  }
0x94: {  	_ =	swait.ge [sflag:s9], $0x1000  }
0x95: {  	[sflag:s9] =	ssyncset.done $0x0  }
0x96: {  	[sflag:s9] =	ssyncadd.s32 $0xFFFFF000  }
0x97: {  	_ =	swait.ge [sflag:s9], $0x1000  }
0x98: {  	[sflag:s9] =	ssyncset.done $0x0  }
0x99: {  	[sflag:s9] =	ssyncadd.s32 $0xFFFFF000  }
0x9a: {  	_ =	swait.ge [sflag:s9], $0x1000  }
0x9b: {  	[sflag:s9] =	ssyncset.done $0x0  }
0x9c: {  	[sflag:s9] =	ssyncadd.s32 $0xFFFFF000  }
0x9d: {  	_ =	swait.ge [sflag:s9], $0x1000  }
0x9e: {  	[sflag:s9] =	ssyncset.done $0x0  }
0x9f: {  	[sflag:s9] =	ssyncadd.s32 $0xFFFFF000  }
0xa0: {  	_ =	swait.ge [sflag:s9], $0x1000  }
0xa1: {  	[sflag:s9] =	ssyncset.done $0x0  }
0xa2: {  	[sflag:s9] =	ssyncadd.s32 $0xFFFFF000  }
0xa3: {  	_ =	swait.ge [sflag:s9], $0x1000  }
0xa4: {  	[sflag:s9] =	ssyncset.done $0x0  }
0xa5: {  	[sflag:s9] =	ssyncadd.s32 $0xFFFFF000  }
0xa6: {  	_ =	swait.ge [sflag:s9], $0x1000  }
0xa7: {  	[sflag:s9] =	ssyncset.done $0x0  }
0xa8: {  	[sflag:s9] =	ssyncadd.s32 $0xFFFFF000  }
0xa9: {  	_ =	swait.ge [sflag:s9], $0x1000  }
0xaa: {  	[sflag:s9] =	ssyncset.done $0x0  }
0xab: {  	[sflag:s9] =	ssyncadd.s32 $0xFFFFF000  }
0xac: {  	p1 =	por $0x0, $0x0;
	_ =	swait.ge [sflag:s9], $0x1000  }
0xad: {  	s14 =	simm.s32 $0x3400;
	s15 =	simm.s32 $0x6800;
	[sflag:s9] =	ssyncset.done $0x0  }
0xae: {  	s16 =	simm.s32 $0x0;
	s17 =	rddreg [dreg:$0x3];
	[sflag:s9] =	ssyncadd.s32 $0xFFFFF000  }
.LBB2_2:
0xaf: {  	s18 =	simm.s32 @!p1 $0x2;
	s17 =	sadd.s32 s16, s17  }
0xb0: {  	[hbm4b:s17+s2] =	stream.linear.scatter [tilespmem:s10], [sflag:$0x3], $0xD000, $0x38;
	[tilespmem:$0x1D400] =	vst v63  }
0xb1: {  	_ =	swait.ge @!p1 [sflag:s18], $0xD000  }
0xb2: {  	s16 =	smov.u32 s14;
	[sflag:s18] =	ssyncset.done @!p1 $0x0  }
0xb3: {  	s17 =	sshra.s32 s16, $0x2;
	[sflag:s18] =	ssyncadd.s32 @!p1 $0xFFFF3000  }
0xb4: {  	[tilespmem:s8], [sflag:$0x1] =	stream.indirect.gather [hbm4b:s3+s7], $0x20, s17, s7, $0xb8;
	[tilespmem:$0x1D400] =	vst v63  }
0xb5: {  	s19 =	sadd.s32 $0x80, s17;
	s24 =	rddreg [dreg:$0x5]  }
0xb6: {  	[tilespmem:s24], [sflag:$0x1] =	stream.indirect.gather [hbm4b:s3+s7], $0x20, s19, s7, $0xb8;
	[tilespmem:$0x1D400] =	vst v63  }
0xb7: {  	s25 =	sadd.s32 $0x100, s17;
	s20 =	rddreg [dreg:$0x6]  }
0xb8: {  	[tilespmem:s20], [sflag:$0x1] =	stream.indirect.gather [hbm4b:s3+s7], $0x20, s25, s7, $0xb8;
	[tilespmem:$0x1D400] =	vst v63  }
0xb9: {  	s28 =	sadd.s32 $0x180, s17;
	s26 =	rddreg [dreg:$0x7]  }
0xba: {  	[tilespmem:s26], [sflag:$0x1] =	stream.indirect.gather [hbm4b:s3+s7], $0x20, s28, s7, $0xb8;
	[tilespmem:$0x1D400] =	vst v63  }
0xbb: {  	s30 =	sadd.s32 $0x200, s17;
	s29 =	rddreg [dreg:$0x8]  }
0xbc: {  	[tilespmem:s29], [sflag:$0x1] =	stream.indirect.gather [hbm4b:s3+s7], $0x20, s30, s7, $0xb8;
	[tilespmem:$0x1D400] =	vst v63  }
0xbd: {  	s21 =	sadd.s32 $0x280, s17;
	s31 =	rddreg [dreg:$0x9]  }
0xbe: {  	[tilespmem:s31], [sflag:$0x1] =	stream.indirect.gather [hbm4b:s3+s7], $0x20, s21, s7, $0xb8;
	[tilespmem:$0x1D400] =	vst v63  }
0xbf: {  	s23 =	sadd.s32 $0x300, s17;
	s22 =	rddreg [dreg:$0xa]  }
0xc0: {  	[tilespmem:s22], [sflag:$0x1] =	stream.indirect.gather [hbm4b:s3+s7], $0x20, s23, s7, $0xb8;
	[tilespmem:$0x1D400] =	vst v63  }
0xc1: {  	s24 =	rddreg [dreg:$0xb];
	s25 =	sadd.s32 $0x380, s17  }
0xc2: {  	[tilespmem:s24], [sflag:$0x1] =	stream.indirect.gather [hbm4b:s3+s7], $0x20, s25, s7, $0xb8;
	[tilespmem:$0x1D400] =	vst v63  }
0xc3: {  	s26 =	rddreg [dreg:$0xc];
	s28 =	sadd.s32 $0x400, s17  }
0xc4: {  	[tilespmem:s26], [sflag:$0x1] =	stream.indirect.gather [hbm4b:s3+s7], $0x20, s28, s7, $0xb8;
	[tilespmem:$0x1D400] =	vst v63  }
0xc5: {  	s29 =	rddreg [dreg:$0xd];
	s30 =	sadd.s32 $0x480, s17  }
0xc6: {  	[tilespmem:s29], [sflag:$0x1] =	stream.indirect.gather [hbm4b:s3+s7], $0x20, s30, s7, $0xb8;
	[tilespmem:$0x1D400] =	vst v63  }
0xc7: {  	s31 =	rddreg [dreg:$0xe];
	s21 =	sadd.s32 $0x500, s17  }
0xc8: {  	[tilespmem:s31], [sflag:$0x1] =	stream.indirect.gather [hbm4b:s3+s7], $0x20, s21, s7, $0xb8;
	[tilespmem:$0x1D400] =	vst v63  }
0xc9: {  	s22 =	rddreg [dreg:$0xf];
	s23 =	sadd.s32 $0x580, s17  }
0xca: {  	[tilespmem:s22], [sflag:$0x1] =	stream.indirect.gather [hbm4b:s3+s7], $0x20, s23, s7, $0xb8;
	[tilespmem:$0x1D400] =	vst v63  }
0xcb: {  	s24 =	rddreg [dreg:$0x10];
	s25 =	sadd.s32 $0x600, s17  }
0xcc: {  	[tilespmem:s24], [sflag:$0x1] =	stream.indirect.gather [hbm4b:s3+s7], $0x20, s25, s7, $0xb8;
	[tilespmem:$0x1D400] =	vst v63  }
0xcd: {  	_ =	swait.ge [sflag:s9], $0x1000  }
0xce: {  	[sflag:s9] =	ssyncset.done $0x0  }
0xcf: {  	[sflag:s9] =	ssyncadd.s32 $0xFFFFF000  }
0xd0: {  	_ =	swait.ge [sflag:s9], $0x1000  }
0xd1: {  	[sflag:s9] =	ssyncset.done $0x0  }
0xd2: {  	[sflag:s9] =	ssyncadd.s32 $0xFFFFF000  }
0xd3: {  	_ =	swait.ge [sflag:s9], $0x1000  }
0xd4: {  	[sflag:s9] =	ssyncset.done $0x0  }
0xd5: {  	[sflag:s9] =	ssyncadd.s32 $0xFFFFF000  }
0xd6: {  	_ =	swait.ge [sflag:s9], $0x1000  }
0xd7: {  	[sflag:s9] =	ssyncset.done $0x0  }
0xd8: {  	[sflag:s9] =	ssyncadd.s32 $0xFFFFF000  }
0xd9: {  	_ =	swait.ge [sflag:s9], $0x1000  }
0xda: {  	[sflag:s9] =	ssyncset.done $0x0  }
0xdb: {  	[sflag:s9] =	ssyncadd.s32 $0xFFFFF000  }
0xdc: {  	_ =	swait.ge [sflag:s9], $0x1000  }
0xdd: {  	[sflag:s9] =	ssyncset.done $0x0  }
0xde: {  	[sflag:s9] =	ssyncadd.s32 $0xFFFFF000  }
0xdf: {  	_ =	swait.ge [sflag:s9], $0x1000  }
0xe0: {  	[sflag:s9] =	ssyncset.done $0x0  }
0xe1: {  	[sflag:s9] =	ssyncadd.s32 $0xFFFFF000  }
0xe2: {  	_ =	swait.ge [sflag:s9], $0x1000  }
0xe3: {  	[sflag:s9] =	ssyncset.done $0x0  }
0xe4: {  	[sflag:s9] =	ssyncadd.s32 $0xFFFFF000  }
0xe5: {  	_ =	swait.ge [sflag:s9], $0x1000  }
0xe6: {  	[sflag:s9] =	ssyncset.done $0x0  }
0xe7: {  	[sflag:s9] =	ssyncadd.s32 $0xFFFFF000  }
0xe8: {  	_ =	swait.ge [sflag:s9], $0x1000  }
0xe9: {  	[sflag:s9] =	ssyncset.done $0x0  }
0xea: {  	[sflag:s9] =	ssyncadd.s32 $0xFFFFF000  }
0xeb: {  	_ =	swait.ge [sflag:s9], $0x1000  }
0xec: {  	[sflag:s9] =	ssyncset.done $0x0  }
0xed: {  	[sflag:s9] =	ssyncadd.s32 $0xFFFFF000  }
0xee: {  	_ =	swait.ge [sflag:s9], $0x1000  }
0xef: {  	[sflag:s9] =	ssyncset.done $0x0  }
0xf0: {  	[sflag:s9] =	ssyncadd.s32 $0xFFFFF000  }
0xf1: {  	_ =	swait.ge [sflag:s9], $0x1000  }
0xf2: {  	s26 =	rddreg [dreg:$0x4];
	[sflag:s9] =	ssyncset.done $0x0  }
0xf3: {  	s19 =	simm.s32 @!p1 $0x3;
	[sflag:s9] =	ssyncadd.s32 $0xFFFFF000;
	s18 =	sadd.s32 s16, s26  }
0xf4: {  	[hbm4b:s18+s2] =	stream.linear.scatter [tilespmem:s8], [sflag:$0x2], $0xD000, $0x38;
	[tilespmem:$0x1D400] =	vst v63  }
0xf5: {  	_ =	swait.ge @!p1 [sflag:s19], $0xD000  }
0xf6: {  	[sflag:s19] =	ssyncset.done @!p1 $0x0  }
0xf7: {  	s28 =	sadd.s32 $0x680, s17;
	[sflag:s19] =	ssyncadd.s32 @!p1 $0xFFFF3000  }
0xf8: {  	[tilespmem:s10], [sflag:$0x1] =	stream.indirect.gather [hbm4b:s3+s7], $0x20, s28, s7, $0xb8;
	[tilespmem:$0x1D400] =	vst v63  }
0xf9: {  	s30 =	sadd.s32 $0x700, s17;
	s29 =	rddreg [dreg:$0x11]  }
0xfa: {  	[tilespmem:s29], [sflag:$0x1] =	stream.indirect.gather [hbm4b:s3+s7], $0x20, s30, s7, $0xb8;
	[tilespmem:$0x1D400] =	vst v63  }
0xfb: {  	s21 =	sadd.s32 $0x780, s17;
	s31 =	rddreg [dreg:$0x12]  }
0xfc: {  	[tilespmem:s31], [sflag:$0x1] =	stream.indirect.gather [hbm4b:s3+s7], $0x20, s21, s7, $0xb8;
	[tilespmem:$0x1D400] =	vst v63  }
0xfd: {  	s23 =	sadd.s32 $0x800, s17;
	s22 =	rddreg [dreg:$0x13]  }
0xfe: {  	[tilespmem:s22], [sflag:$0x1] =	stream.indirect.gather [hbm4b:s3+s7], $0x20, s23, s7, $0xb8;
	[tilespmem:$0x1D400] =	vst v63  }
0xff: {  	s25 =	sadd.s32 $0x880, s17;
	s24 =	rddreg [dreg:$0x14]  }
0x100: {  	[tilespmem:s24], [sflag:$0x1] =	stream.indirect.gather [hbm4b:s3+s7], $0x20, s25, s7, $0xb8;
	[tilespmem:$0x1D400] =	vst v63  }
0x101: {  	s26 =	rddreg [dreg:$0x15];
	s28 =	sadd.s32 $0x900, s17  }
0x102: {  	[tilespmem:s26], [sflag:$0x1] =	stream.indirect.gather [hbm4b:s3+s7], $0x20, s28, s7, $0xb8;
	[tilespmem:$0x1D400] =	vst v63  }
0x103: {  	s29 =	rddreg [dreg:$0x16];
	s30 =	sadd.s32 $0x980, s17  }
0x104: {  	[tilespmem:s29], [sflag:$0x1] =	stream.indirect.gather [hbm4b:s3+s7], $0x20, s30, s7, $0xb8;
	[tilespmem:$0x1D400] =	vst v63  }
0x105: {  	s31 =	rddreg [dreg:$0x17];
	s21 =	sadd.s32 $0xA00, s17  }
0x106: {  	[tilespmem:s31], [sflag:$0x1] =	stream.indirect.gather [hbm4b:s3+s7], $0x20, s21, s7, $0xb8;
	[tilespmem:$0x1D400] =	vst v63  }
0x107: {  	s22 =	rddreg [dreg:$0x18];
	s23 =	sadd.s32 $0xA80, s17  }
0x108: {  	[tilespmem:s22], [sflag:$0x1] =	stream.indirect.gather [hbm4b:s3+s7], $0x20, s23, s7, $0xb8;
	[tilespmem:$0x1D400] =	vst v63  }
0x109: {  	s24 =	rddreg [dreg:$0x19];
	s25 =	sadd.s32 $0xB00, s17  }
0x10a: {  	[tilespmem:s24], [sflag:$0x1] =	stream.indirect.gather [hbm4b:s3+s7], $0x20, s25, s7, $0xb8;
	[tilespmem:$0x1D400] =	vst v63  }
0x10b: {  	s26 =	rddreg [dreg:$0x1a];
	s28 =	sadd.s32 $0xB80, s17  }
0x10c: {  	[tilespmem:s26], [sflag:$0x1] =	stream.indirect.gather [hbm4b:s3+s7], $0x20, s28, s7, $0xb8;
	[tilespmem:$0x1D400] =	vst v63  }
0x10d: {  	s29 =	rddreg [dreg:$0x1b];
	s30 =	sadd.s32 $0xC00, s17  }
0x10e: {  	[tilespmem:s29], [sflag:$0x1] =	stream.indirect.gather [hbm4b:s3+s7], $0x20, s30, s7, $0xb8;
	[tilespmem:$0x1D400] =	vst v63  }
0x10f: {  	s17 =	sadd.s32 $0xC80, s17;
	s31 =	rddreg [dreg:$0x1c]  }
0x110: {  	[tilespmem:s31], [sflag:$0x1] =	stream.indirect.gather [hbm4b:s3+s7], $0x20, s17, s7, $0xb8;
	[tilespmem:$0x1D400] =	vst v63  }
0x111: {  	_ =	swait.ge [sflag:s9], $0x1000  }
0x112: {  	[sflag:s9] =	ssyncset.done $0x0  }
0x113: {  	[sflag:s9] =	ssyncadd.s32 $0xFFFFF000  }
0x114: {  	_ =	swait.ge [sflag:s9], $0x1000  }
0x115: {  	[sflag:s9] =	ssyncset.done $0x0  }
0x116: {  	[sflag:s9] =	ssyncadd.s32 $0xFFFFF000  }
0x117: {  	_ =	swait.ge [sflag:s9], $0x1000  }
0x118: {  	[sflag:s9] =	ssyncset.done $0x0  }
0x119: {  	[sflag:s9] =	ssyncadd.s32 $0xFFFFF000  }
0x11a: {  	_ =	swait.ge [sflag:s9], $0x1000  }
0x11b: {  	[sflag:s9] =	ssyncset.done $0x0  }
0x11c: {  	[sflag:s9] =	ssyncadd.s32 $0xFFFFF000  }
0x11d: {  	_ =	swait.ge [sflag:s9], $0x1000  }
0x11e: {  	[sflag:s9] =	ssyncset.done $0x0  }
0x11f: {  	[sflag:s9] =	ssyncadd.s32 $0xFFFFF000  }
0x120: {  	_ =	swait.ge [sflag:s9], $0x1000  }
0x121: {  	[sflag:s9] =	ssyncset.done $0x0  }
0x122: {  	[sflag:s9] =	ssyncadd.s32 $0xFFFFF000  }
0x123: {  	_ =	swait.ge [sflag:s9], $0x1000  }
0x124: {  	[sflag:s9] =	ssyncset.done $0x0  }
0x125: {  	[sflag:s9] =	ssyncadd.s32 $0xFFFFF000  }
0x126: {  	_ =	swait.ge [sflag:s9], $0x1000  }
0x127: {  	[sflag:s9] =	ssyncset.done $0x0  }
0x128: {  	[sflag:s9] =	ssyncadd.s32 $0xFFFFF000  }
0x129: {  	_ =	swait.ge [sflag:s9], $0x1000  }
0x12a: {  	[sflag:s9] =	ssyncset.done $0x0  }
0x12b: {  	[sflag:s9] =	ssyncadd.s32 $0xFFFFF000  }
0x12c: {  	_ =	swait.ge [sflag:s9], $0x1000  }
0x12d: {  	[sflag:s9] =	ssyncset.done $0x0  }
0x12e: {  	[sflag:s9] =	ssyncadd.s32 $0xFFFFF000  }
0x12f: {  	_ =	swait.ge [sflag:s9], $0x1000  }
0x130: {  	[sflag:s9] =	ssyncset.done $0x0  }
0x131: {  	s14 =	smov.u32 s15;
	s15 =	sadd.s32 $0x3400, s15;
	[sflag:s9] =	ssyncadd.s32 $0xFFFFF000  }
0x132: {  	p0 =	sne.s32 s15, $0xD000;
	_ =	swait.ge [sflag:s9], $0x1000  }
.Ltmp0:
0x133: {  	[sflag:s9] =	ssyncset.done $0x0;
	(pc) =	sbr.rel @p0 .LBB2_2-.Ltmp0, $4  }
0x134: {  	[sflag:s9] =	ssyncadd.s32 $0xFFFFF000  }
0x135: {  	_ =	swait.ge [sflag:s9], $0x1000  }
0x136: {  	[sflag:s9] =	ssyncset.done $0x0  }
0x137: {  	p1 =	seq.s32 s14, $0x0;
	s17 =	rddreg [dreg:$0x3];
	[sflag:s9] =	ssyncadd.s32 $0xFFFFF000  }
0x138: {  	s15 =	simm.s32 @!p1 $0x2;
	s16 =	sadd.s32 s16, s17  }
0x139: {  	[hbm4b:s16+s2] =	stream.linear.scatter [tilespmem:s10], [sflag:$0x3], $0xD000, $0x38;
	[tilespmem:$0x1D400] =	vst v63  }
0x13a: {  	_ =	swait.ge @!p1 [sflag:s15], $0xD000  }
0x13b: {  	[sflag:s15] =	ssyncset.done @!p1 $0x0  }
0x13c: {  	[sflag:s15] =	ssyncadd.s32 @!p1 $0xFFFF3000;
	s15 =	sshra.s32 s14, $0x2  }
0x13d: {  	[tilespmem:s8], [sflag:$0x1] =	stream.indirect.gather [hbm4b:s3+s7], $0x20, s15, s7, $0xb8;
	[tilespmem:$0x1D400] =	vst v63  }
0x13e: {  	s19 =	rddreg [dreg:$0x5];
	s20 =	sadd.s32 $0x80, s15  }
0x13f: {  	[tilespmem:s19], [sflag:$0x1] =	stream.indirect.gather [hbm4b:s3+s7], $0x20, s20, s7, $0xb8;
	[tilespmem:$0x1D400] =	vst v63  }
0x140: {  	s18 =	rddreg [dreg:$0x6];
	s21 =	sadd.s32 $0x100, s15  }
0x141: {  	[tilespmem:s18], [sflag:$0x1] =	stream.indirect.gather [hbm4b:s3+s7], $0x20, s21, s7, $0xb8;
	[tilespmem:$0x1D400] =	vst v63  }
0x142: {  	s22 =	rddreg [dreg:$0x7];
	s23 =	sadd.s32 $0x180, s15  }
0x143: {  	[tilespmem:s22], [sflag:$0x1] =	stream.indirect.gather [hbm4b:s3+s7], $0x20, s23, s7, $0xb8;
	[tilespmem:$0x1D400] =	vst v63  }
0x144: {  	s24 =	rddreg [dreg:$0x8];
	s25 =	sadd.s32 $0x200, s15  }
0x145: {  	[tilespmem:s24], [sflag:$0x1] =	stream.indirect.gather [hbm4b:s3+s7], $0x20, s25, s7, $0xb8;
	[tilespmem:$0x1D400] =	vst v63  }
0x146: {  	s26 =	rddreg [dreg:$0x9];
	s28 =	sadd.s32 $0x280, s15  }
0x147: {  	[tilespmem:s26], [sflag:$0x1] =	stream.indirect.gather [hbm4b:s3+s7], $0x20, s28, s7, $0xb8;
	[tilespmem:$0x1D400] =	vst v63  }
0x148: {  	s29 =	rddreg [dreg:$0xa];
	s30 =	sadd.s32 $0x300, s15  }
0x149: {  	[tilespmem:s29], [sflag:$0x1] =	stream.indirect.gather [hbm4b:s3+s7], $0x20, s30, s7, $0xb8;
	[tilespmem:$0x1D400] =	vst v63  }
0x14a: {  	s31 =	rddreg [dreg:$0xb];
	s19 =	sadd.s32 $0x380, s15  }
0x14b: {  	[tilespmem:s31], [sflag:$0x1] =	stream.indirect.gather [hbm4b:s3+s7], $0x20, s19, s7, $0xb8;
	[tilespmem:$0x1D400] =	vst v63  }
0x14c: {  	s20 =	rddreg [dreg:$0xc];
	s21 =	sadd.s32 $0x400, s15  }
0x14d: {  	[tilespmem:s20], [sflag:$0x1] =	stream.indirect.gather [hbm4b:s3+s7], $0x20, s21, s7, $0xb8;
	[tilespmem:$0x1D400] =	vst v63  }
0x14e: {  	s22 =	rddreg [dreg:$0xd];
	s23 =	sadd.s32 $0x480, s15  }
0x14f: {  	[tilespmem:s22], [sflag:$0x1] =	stream.indirect.gather [hbm4b:s3+s7], $0x20, s23, s7, $0xb8;
	[tilespmem:$0x1D400] =	vst v63  }
0x150: {  	s24 =	rddreg [dreg:$0xe];
	s25 =	sadd.s32 $0x500, s15  }
0x151: {  	[tilespmem:s24], [sflag:$0x1] =	stream.indirect.gather [hbm4b:s3+s7], $0x20, s25, s7, $0xb8;
	[tilespmem:$0x1D400] =	vst v63  }
0x152: {  	s26 =	rddreg [dreg:$0xf];
	s28 =	sadd.s32 $0x580, s15  }
0x153: {  	[tilespmem:s26], [sflag:$0x1] =	stream.indirect.gather [hbm4b:s3+s7], $0x20, s28, s7, $0xb8;
	[tilespmem:$0x1D400] =	vst v63  }
0x154: {  	s29 =	rddreg [dreg:$0x10];
	s30 =	sadd.s32 $0x600, s15  }
0x155: {  	[tilespmem:s29], [sflag:$0x1] =	stream.indirect.gather [hbm4b:s3+s7], $0x20, s30, s7, $0xb8;
	[tilespmem:$0x1D400] =	vst v63  }
0x156: {  	_ =	swait.ge [sflag:s9], $0x1000  }
0x157: {  	[sflag:s9] =	ssyncset.done $0x0  }
0x158: {  	[sflag:s9] =	ssyncadd.s32 $0xFFFFF000  }
0x159: {  	_ =	swait.ge [sflag:s9], $0x1000  }
0x15a: {  	[sflag:s9] =	ssyncset.done $0x0  }
0x15b: {  	[sflag:s9] =	ssyncadd.s32 $0xFFFFF000  }
0x15c: {  	_ =	swait.ge [sflag:s9], $0x1000  }
0x15d: {  	[sflag:s9] =	ssyncset.done $0x0  }
0x15e: {  	[sflag:s9] =	ssyncadd.s32 $0xFFFFF000  }
0x15f: {  	_ =	swait.ge [sflag:s9], $0x1000  }
0x160: {  	[sflag:s9] =	ssyncset.done $0x0  }
0x161: {  	[sflag:s9] =	ssyncadd.s32 $0xFFFFF000  }
0x162: {  	_ =	swait.ge [sflag:s9], $0x1000  }
0x163: {  	[sflag:s9] =	ssyncset.done $0x0  }
0x164: {  	[sflag:s9] =	ssyncadd.s32 $0xFFFFF000  }
0x165: {  	_ =	swait.ge [sflag:s9], $0x1000  }
0x166: {  	[sflag:s9] =	ssyncset.done $0x0  }
0x167: {  	[sflag:s9] =	ssyncadd.s32 $0xFFFFF000  }
0x168: {  	_ =	swait.ge [sflag:s9], $0x1000  }
0x169: {  	[sflag:s9] =	ssyncset.done $0x0  }
0x16a: {  	[sflag:s9] =	ssyncadd.s32 $0xFFFFF000  }
0x16b: {  	_ =	swait.ge [sflag:s9], $0x1000  }
0x16c: {  	[sflag:s9] =	ssyncset.done $0x0  }
0x16d: {  	[sflag:s9] =	ssyncadd.s32 $0xFFFFF000  }
0x16e: {  	_ =	swait.ge [sflag:s9], $0x1000  }
0x16f: {  	[sflag:s9] =	ssyncset.done $0x0  }
0x170: {  	[sflag:s9] =	ssyncadd.s32 $0xFFFFF000  }
0x171: {  	_ =	swait.ge [sflag:s9], $0x1000  }
0x172: {  	[sflag:s9] =	ssyncset.done $0x0  }
0x173: {  	[sflag:s9] =	ssyncadd.s32 $0xFFFFF000  }
0x174: {  	_ =	swait.ge [sflag:s9], $0x1000  }
0x175: {  	[sflag:s9] =	ssyncset.done $0x0  }
0x176: {  	[sflag:s9] =	ssyncadd.s32 $0xFFFFF000  }
0x177: {  	_ =	swait.ge [sflag:s9], $0x1000  }
0x178: {  	[sflag:s9] =	ssyncset.done $0x0  }
0x179: {  	[sflag:s9] =	ssyncadd.s32 $0xFFFFF000  }
0x17a: {  	_ =	swait.ge [sflag:s9], $0x1000  }
0x17b: {  	s31 =	rddreg [dreg:$0x4];
	[sflag:s9] =	ssyncset.done $0x0  }
0x17c: {  	s17 =	simm.s32 @!p1 $0x3;
	[sflag:s9] =	ssyncadd.s32 $0xFFFFF000;
	s16 =	sadd.s32 s14, s31  }
0x17d: {  	[hbm4b:s16+s2] =	stream.linear.scatter [tilespmem:s8], [sflag:$0x2], $0xD000, $0x38;
	[tilespmem:$0x1D400] =	vst v63  }
0x17e: {  	_ =	swait.ge @!p1 [sflag:s17], $0xD000  }
0x17f: {  	[sflag:s17] =	ssyncset.done @!p1 $0x0  }
0x180: {  	[sflag:s17] =	ssyncadd.s32 @!p1 $0xFFFF3000;
	s17 =	sadd.s32 $0x680, s15  }
0x181: {  	[tilespmem:s10], [sflag:$0x1] =	stream.indirect.gather [hbm4b:s3+s7], $0x20, s17, s7, $0xb8;
	[tilespmem:$0x1D400] =	vst v63  }
0x182: {  	s19 =	sadd.s32 $0x700, s15;
	s18 =	rddreg [dreg:$0x11]  }
0x183: {  	[tilespmem:s18], [sflag:$0x1] =	stream.indirect.gather [hbm4b:s3+s7], $0x20, s19, s7, $0xb8;
	[tilespmem:$0x1D400] =	vst v63  }
0x184: {  	s21 =	sadd.s32 $0x780, s15;
	s20 =	rddreg [dreg:$0x12]  }
0x185: {  	[tilespmem:s20], [sflag:$0x1] =	stream.indirect.gather [hbm4b:s3+s7], $0x20, s21, s7, $0xb8;
	[tilespmem:$0x1D400] =	vst v63  }
0x186: {  	s23 =	sadd.s32 $0x800, s15;
	s22 =	rddreg [dreg:$0x13]  }
0x187: {  	[tilespmem:s22], [sflag:$0x1] =	stream.indirect.gather [hbm4b:s3+s7], $0x20, s23, s7, $0xb8;
	[tilespmem:$0x1D400] =	vst v63  }
0x188: {  	s25 =	sadd.s32 $0x880, s15;
	s24 =	rddreg [dreg:$0x14]  }
0x189: {  	[tilespmem:s24], [sflag:$0x1] =	stream.indirect.gather [hbm4b:s3+s7], $0x20, s25, s7, $0xb8;
	[tilespmem:$0x1D400] =	vst v63  }
0x18a: {  	s28 =	sadd.s32 $0x900, s15;
	s26 =	rddreg [dreg:$0x15]  }
0x18b: {  	[tilespmem:s26], [sflag:$0x1] =	stream.indirect.gather [hbm4b:s3+s7], $0x20, s28, s7, $0xb8;
	[tilespmem:$0x1D400] =	vst v63  }
0x18c: {  	s30 =	sadd.s32 $0x980, s15;
	s29 =	rddreg [dreg:$0x16]  }
0x18d: {  	[tilespmem:s29], [sflag:$0x1] =	stream.indirect.gather [hbm4b:s3+s7], $0x20, s30, s7, $0xb8;
	[tilespmem:$0x1D400] =	vst v63  }
0x18e: {  	s31 =	rddreg [dreg:$0x17];
	s19 =	sadd.s32 $0xA00, s15  }
0x18f: {  	[tilespmem:s31], [sflag:$0x1] =	stream.indirect.gather [hbm4b:s3+s7], $0x20, s19, s7, $0xb8;
	[tilespmem:$0x1D400] =	vst v63  }
0x190: {  	s20 =	rddreg [dreg:$0x18];
	s21 =	sadd.s32 $0xA80, s15  }
0x191: {  	[tilespmem:s20], [sflag:$0x1] =	stream.indirect.gather [hbm4b:s3+s7], $0x20, s21, s7, $0xb8;
	[tilespmem:$0x1D400] =	vst v63  }
0x192: {  	s22 =	rddreg [dreg:$0x19];
	s23 =	sadd.s32 $0xB00, s15  }
0x193: {  	[tilespmem:s22], [sflag:$0x1] =	stream.indirect.gather [hbm4b:s3+s7], $0x20, s23, s7, $0xb8;
	[tilespmem:$0x1D400] =	vst v63  }
0x194: {  	s24 =	rddreg [dreg:$0x1a];
	s25 =	sadd.s32 $0xB80, s15  }
0x195: {  	[tilespmem:s24], [sflag:$0x1] =	stream.indirect.gather [hbm4b:s3+s7], $0x20, s25, s7, $0xb8;
	[tilespmem:$0x1D400] =	vst v63  }
0x196: {  	s26 =	rddreg [dreg:$0x1b];
	s28 =	sadd.s32 $0xC00, s15  }
0x197: {  	[tilespmem:s26], [sflag:$0x1] =	stream.indirect.gather [hbm4b:s3+s7], $0x20, s28, s7, $0xb8;
	[tilespmem:$0x1D400] =	vst v63  }
0x198: {  	s15 =	sadd.s32 $0xC80, s15;
	s29 =	rddreg [dreg:$0x1c]  }
0x199: {  	[tilespmem:s29], [sflag:$0x1] =	stream.indirect.gather [hbm4b:s3+s7], $0x20, s15, s7, $0xb8;
	[tilespmem:$0x1D400] =	vst v63  }
0x19a: {  	_ =	swait.ge [sflag:s9], $0x1000  }
0x19b: {  	[sflag:s9] =	ssyncset.done $0x0  }
0x19c: {  	[sflag:s9] =	ssyncadd.s32 $0xFFFFF000  }
0x19d: {  	_ =	swait.ge [sflag:s9], $0x1000  }
0x19e: {  	[sflag:s9] =	ssyncset.done $0x0  }
0x19f: {  	[sflag:s9] =	ssyncadd.s32 $0xFFFFF000  }
0x1a0: {  	_ =	swait.ge [sflag:s9], $0x1000  }
0x1a1: {  	[sflag:s9] =	ssyncset.done $0x0  }
0x1a2: {  	[sflag:s9] =	ssyncadd.s32 $0xFFFFF000  }
0x1a3: {  	_ =	swait.ge [sflag:s9], $0x1000  }
0x1a4: {  	[sflag:s9] =	ssyncset.done $0x0  }
0x1a5: {  	[sflag:s9] =	ssyncadd.s32 $0xFFFFF000  }
0x1a6: {  	_ =	swait.ge [sflag:s9], $0x1000  }
0x1a7: {  	[sflag:s9] =	ssyncset.done $0x0  }
0x1a8: {  	[sflag:s9] =	ssyncadd.s32 $0xFFFFF000  }
0x1a9: {  	_ =	swait.ge [sflag:s9], $0x1000  }
0x1aa: {  	[sflag:s9] =	ssyncset.done $0x0  }
0x1ab: {  	[sflag:s9] =	ssyncadd.s32 $0xFFFFF000  }
0x1ac: {  	_ =	swait.ge [sflag:s9], $0x1000  }
0x1ad: {  	[sflag:s9] =	ssyncset.done $0x0  }
0x1ae: {  	[sflag:s9] =	ssyncadd.s32 $0xFFFFF000  }
0x1af: {  	_ =	swait.ge [sflag:s9], $0x1000  }
0x1b0: {  	[sflag:s9] =	ssyncset.done $0x0  }
0x1b1: {  	[sflag:s9] =	ssyncadd.s32 $0xFFFFF000  }
0x1b2: {  	_ =	swait.ge [sflag:s9], $0x1000  }
0x1b3: {  	[sflag:s9] =	ssyncset.done $0x0  }
0x1b4: {  	[sflag:s9] =	ssyncadd.s32 $0xFFFFF000  }
0x1b5: {  	_ =	swait.ge [sflag:s9], $0x1000  }
0x1b6: {  	[sflag:s9] =	ssyncset.done $0x0  }
0x1b7: {  	[sflag:s9] =	ssyncadd.s32 $0xFFFFF000  }
0x1b8: {  	_ =	swait.ge [sflag:s9], $0x1000  }
0x1b9: {  	[sflag:s9] =	ssyncset.done $0x0  }
0x1ba: {  	[sflag:s9] =	ssyncadd.s32 $0xFFFFF000  }
0x1bb: {  	_ =	swait.ge [sflag:s9], $0x1000  }
0x1bc: {  	[sflag:s9] =	ssyncset.done $0x0  }
0x1bd: {  	[sflag:s9] =	ssyncadd.s32 $0xFFFFF000  }
0x1be: {  	_ =	swait.ge [sflag:s9], $0x1000  }
0x1bf: {  	s30 =	rddreg [dreg:$0x3];
	[sflag:s9] =	ssyncset.done $0x0  }
0x1c0: {  	s13 =	sadd.s32 $0x1, s13;
	[sflag:s9] =	ssyncadd.s32 $0xFFFFF000;
	s31 =	sadd.s32 s14, s30  }
0x1c1: {  	[hbm4b:s31+s2] =	stream.linear.scatter [tilespmem:s10], [sflag:$0x3], $0xD000, $0x38;
	[tilespmem:$0x1D400] =	vst v63  }
0x1c2: {  	p0 =	sne.s32 s13, s5;
	_ =	swait.ge [sflag:s11], $0xD000  }
.Ltmp1:
0x1c3: {  	[sflag:s11] =	ssyncset.done $0x0;
	(pc) =	sbr.rel @p0 .LBB2_1-.Ltmp1, $4  }
0x1c4: {  	[sflag:s11] =	ssyncadd.s32 $0xFFFF3000  }
0x1c5: {  	_ =	swait.ge [sflag:s12], $0xD000  }
0x1c6: {  	[sflag:s12] =	ssyncset.done $0x0  }
0x1c7: {  	[sflag:s12] =	ssyncadd.s32 $0xFFFF3000  }
0x1c8: {  	_ =	sfence.sel $0x180000  }
0x1c9: {  	[bflag:$0x0] =	sbarrier.arrive $0xFFFF  }
0x1ca: {  	p0 =	sne.s32 s0, $0x0;
	_ =	strace $0x90000047  }
0x1cb: {  	s0 =	sadd.s32 @!p0 $0x100000, s1;
	[bflag:$0x2] =	sbarrier.arrive $0xFFFF  }
0x1cc: {  	[sflag:s0] =	ssyncadd.tile.s32 @!p0 $0x1;
	_ =	shalt  }
.Lfunc_end2:
_tile_overlayer_lowered:
.L_overlay_start_2:
0x1cd: {  	(tag) =	ssettag $0x2  }
0x1ce: {  	s0 =	rddreg [dreg:$0x0];
	s2 =	stileid.u32  }
0x1cf: {  	s1 =	rddreg [dreg:$0x1];
	p0 =	sne.s32 s2, $0x0  }
0x1d0: {  	s3 =	rddreg [dreg:$0x2];
	[bflag:$0x3] =	sbarrier.arrive $0xFFFF;
	s2 =	simm.s32 @!p0 $0x1C04  }
0x1d1: {  	[timem:s3], [sflag:s2] =	dma.local @!p0 [hbm:s0], s1  }
0x1d2: {  	s0 =	simm.s32 @!p0 $0x4  }
0x1d3: {  	_ =	swait.ge @!p0 [sflag:s0], s1  }
0x1d4: {  	s1 =	ssub.s32 @!p0 $0x0, s1;
	[sflag:s0] =	ssyncset.done @!p0 $0x0  }
0x1d5: {  	[sflag:s0] =	ssyncadd.s32 @!p0 s1  }
0x1d6: {  	[bflag:$0x3] =	sbarrier.arrive $0xFFFF  }
0x1d7: {  	_ =	shalt  }

// kernel: sparse-core-data-format-call.cloned.1.call-start
scs
called_computation_lowered:
.L_overlay_start_0:
0x0: {  	s2 =	sld [smem:$0x3FD9]  }
0x1: {  	s3 =	sld [smem:$0x3FFE];
	_ =	sdelay $0x1  }
0x2: {  	s1 =	srdreg.scid  }
0x3: {  	s0 =	sand.u32 $0x1, s1  }
0x4: {  	s18 =	sshll.u32 s0, $0xA;
	s2 =	sadd.s32 s3, s2  }
0x5: {  	s2 =	sadd.s32 s2, s18  }
0x6: {  	[smem:$0x3FC6] =	sst s2  }
0x7: {  	_ = 	snop  }
0x8: {  	s2 =	sld [smem:$0x3FD0];
	(tm) =	ssettm $0x1  }
0x9: {  	s19 =	sld [smem:$0x3FFB];
	_ =	sdelay $0x3  }
0xa: {  	_ =	strace s19  }
0xb: {  	s3 =	sld [smem:$0x3FFC];
	_ =	sdelay $0x3  }
0xc: {  	_ =	strace s3  }
0xd: {  	s3 =	sld [smem:$0x3FFD];
	_ =	sdelay $0x3  }
0xe: {  	_ =	strace s3  }
0xf: {  	_ =	strace $0x8FFFFFFF  }
0x10: {  	s20 =	sld [smem:$0x3FDB];
	_ =	sdelay $0x1  }
0x11: {  	s4 =	simm.s32 $_scs_section_size  }
0x12: {  	s5 =	simm.s32 $_size__tile_overlayer_lowered;
	s6 =	simm.s32 $_tile_overlayer_lowered  }
0x13: {  	s23 =	simm.s32 $0x1BFF;
	s22 =	sshll.u32 s6, $0x1;
	s3 =	sadd.s32 s4, s20  }
0x14: {  	s7 =	simm.s32 $0x0;
	s21 =	sshll.u32 s5, $0x1;
	s5 =	sadd.s32 s22, s3  }
0x15: {  	[timem:s7], [sflag:s23] =	dma.local [hbm:s5], s21  }
0x16: {  	_ =	swait.ge [sflag:s23], s21  }
0x17: {  	s4 =	ssub.s32 $0x0, s21;
	[sflag:s23] =	ssyncset.done $0x0  }
0x18: {  	[sflag:s23] =	ssyncadd.s32 s4;
	_ =	sdelay $0x1  }
0x19: {  	s24 =	simm.s32 $0x1B8B  }
0x1a: {  	_ =	swait.ge [sflag:s24], $0x1  }
0x1b: {  	[sflag:s24] =	ssyncset.done $0x0  }
0x1c: {  	s26 =	simm.s32 $0x1B8E;
	s25 =	sld [smem:$0x3FFE];
	[sflag:s24] =	ssyncadd.s32 $0xFFFFFFFF  }
0x1d: {  	s27 =	simm.s32 $execute0_lowered;
	[smem:$0x3FD2] =	sst s26  }
0x1e: {  	s5 =	sshll.u32 s27, $0x1;
	_ =	strace $0x80000049;
	[dreg:$0x1] =	wrdreg $0xFFFFFFFF  }
0x1f: {  	s28 =	simm.s32 $_size_execute0_lowered;
	s3 =	sadd.s32 s3, s5;
	[dreg:$0x0] =	wrdreg $0x0  }
0x20: {  	s5 =	sshll.u32 s28, $0x1;
	[dreg:$0x2] =	wrdreg s3  }
0x21: {  	[dreg:$0x3] =	wrdreg s5  }
0x22: {  	[dreg:$0x4] =	wrdreg $0xC0  }
0x23: {  	_ =	task [dreg:s7], $0x5FFFF  }
0x24: {  	[dreg:$0x1] =	wrdreg $0xFFFFFFFF  }
0x25: {  	[dreg:$0x0] =	wrdreg $0x60  }
0x26: {  	[dreg:$0x2] =	wrdreg s25  }
0x27: {  	[dreg:$0x3] =	wrdreg s2  }
0x28: {  	[dreg:$0x4] =	wrdreg $0x9  }
0x29: {  	_ =	task.clear_ibuf [dreg:s7], $0x5FFFF;
	_ =	strace $0x90000049  }
0x2a: {  	s29 =	simm.s32 $0x9;
	_ =	strace $0x8000004B  }
0x2b: {  	_ =	swait.ge [sflag:s29], $0x1  }
0x2c: {  	[sflag:s29] =	ssyncadd.s32 $0xFFFFFFFF  }
0x2d: {  	_ =	strace $0x9000004B  }
0x2e: {  	_ =	sfence  }
0x2f: {  	s30 =	sld [smem:$0x0];
	_ =	sdelay $0x2  }
0x30: {  	s31 =	sshll.u32 s1, $0xD;
	s1 =	sshrl.u32 s1, $0x2  }
0x31: {  	s3 =	sand.u32 $0x4000, s31;
	s1 =	sadd.s32 s1, s30  }
0x32: {  	s0 =	sor.u32 s3, s0;
	s1 =	sshll.u32 s1, $0x11  }
0x33: {  	s0 =	sor.u32 s1, s0  }
0x34: {  	s0 =	sadd.s32 $0x8F2B, s0  }
0x35: {  	[sflag:s0] =	ssyncadd.remote.s32 $0x1  }
0x36: {  	_ =	sfence.sel $0xFFFF  }
0x37: {  	[dreg:$0x0] =	wrdreg $0xFFFFFFFF;
	(pc) =	sbr.abs _section_cstart, $3  }
0x38: {  	[dreg:$0x1] =	wrdreg $0xFFFFFFFF  }
0x39: {  	_ =	task.clear_ibuf [dreg:s7], $0x2FFFF;
	_ =	strace $0x9FFFFFFF  }
0x3a: {  	(tm) =	ssettm $0x7FFFFFFF  }
0x3b: {  	_ =	shalt  }
tec
execute0_lowered:
.L_overlay_start_1:
0x0: {  	(tag) =	ssettag $0x1  }
0x1: {  	s0 =	srdreg.scid  }
0x2: {  	s1 =	sshll.u32 s0, $0x4  }
0x3: {  	s0 =	stileid.u32;
	s1 =	sand.u32 $0x10, s1  }
0x4: {  	s1 =	sor.u32 s0, s1  }
0x5: {  	s6 =	rddreg [dreg:$0x0];
	s4 =	simm.s32 $0x1;
	s2 =	sshll.u32 s1, $0x7  }
0x6: {  	s7 =	simm.s32 $0x2;
	s12 =	simm.s32 $0x0;
	s1 =	ssub.s32 $0x4000, s2  }
0x7: {  	s8 =	simm.s32 $0x20000;
	s13 =	simm.s32 $0x0;
	s3 =	sand.u32 $0xF80, s1  }
0x8: {  	s9 =	simm.s32 $0x0;
	s5 =	sshrl.u32 s1, $0xC;
	p0 =	sne.s32 s3, $0x0  }
.Ltmp0:
0x9: {  	s1 =	rddreg [dreg:$0x2];
	s4 =	simm.s32 @!p0 $0x0;
	(pc) =	sbr.rel .LBB1_1-.Ltmp0, $4  }
0xa: {  	s11 =	simm.s32 $0x0;
	s3 =	rddreg [dreg:$0x1];
	s5 =	sadd.s32 s4, s5  }
0xb: {  	_ =	strace $0x8000004A;
	s4 =	simm.s32 $0x1;
	s5 =	smul.u32 $0x1A, s5  }
0xc: {  	s6 =	sadd.s32 $0xA00, s6;
	s10 =	smov.u32 s2;
	[sflag:s4] =	ssyncpa.u1 $0x0  }
0xd: {  	p0 =	por $0x0, $0x0;
	[sflag:s7] =	ssyncpa.u1 $0x0;
	s7 =	sor.u32 $0x1, s5  }
.LBB1_4:
0xe: {  	s16 =	sshll.u32 s13, $0x3;
	s17 =	sand.u32 $0x78, s13  }
0xf: {  	s30 =	sand.u32 $0xF800, s13;
	s12 =	sshll.u32 s12, $0x10;
	s16 =	sand.u32 $0x3C00, s16  }
0x10: {  	s31 =	sand.u32 $0x7, s13;
	s16 =	sor.u32 s17, s16;
	s17 =	sadd.s32 s3, s30  }
0x11: {  	s13 =	sshll.u32 s31, $0x12;
	s16 =	sshrl.u32 s16, $0x3;
	s12 =	sadd.s32 s12, s17  }
0x12: {  	[tilespmem:s15+$0x0 ss:$0x81] =	vst.msk $0xffff, v0;
	s13 =	sor.u32 $0x400, s13;
	s12 =	sadd.s32 s16, s12  }
0x13: {  	[hbm4b:s12+s13] =	stream.strided.scatter [tilespmem:s14], [sflag:$0x2], $0x1000, s8, s13, $0x20;
	[tilespmem:$0x4040] =	vst v63  }
.LBB1_5:
0x14: {  	s14 =	sadd.s32 $0x1, s9  }
0x15: {  	s12 =	sadd.s32 $0x1000, s10;
	s16 =	smov.u32 s10;
	p2 =	sgt.s32 s14, $0x19  }
0x16: {  	s16 =	smov.u32 @p2 s12  }
0x17: {  	s14 =	simm.s32 @p2 $0x0;
	p2 =	sgt.s32 s16, $0x3FFF  }
0x18: {  	s16 =	smov.u32 @p2 s2;
	p2 =	sne.s32 s11, s7  }
.Ltmp1:
0x19: {  	p1 =	slt.u32 s11, $0x2;
	(pc) =	sbr.rel @!p2 .LBB1_6-.Ltmp1, $4  }
0x1a: {  	s15 =	simm.s32 @!p1 $0x2  }
0x1b: {  	s13 =	smov.u32 s10;
	p0 =	por !p0, !p0;
	_ =	swait.ge @!p1 [sflag:s15], $0x1000  }
0x1c: {  	s12 =	smov.u32 s9;
	[sflag:s15] =	ssyncset.done @!p1 $0x0;
	s9 =	smov.u32 s14  }
0x1d: {  	s11 =	sadd.s32 $0x1, s11;
	[sflag:s15] =	ssyncadd.s32 @!p1 $0xFFFFF000;
	s10 =	smov.u32 s16  }
.LBB1_1:
0x1e: {  	p1 =	sge.u32 s11, s5  }
0x1f: {  	s31 =	sadd.s32 $0xFFFFFFFF, s11;
	s14 =	sxor.u32 @!p1 $0xFFFFFFFF, s11  }
0x20: {  	s15 =	sshll.u32 @!p1 s10, $0x9;
	s16 =	sshll.u32 @!p1 s9, $0x4;
	s17 =	simm.s32 @!p1 $0x1000  }
0x21: {  	s14 =	sshll.u32 @!p1 s14, $0xC;
	s16 =	sand.u32 @!p1 $0x1F0, s16;
	s15 =	sadd.s32 @!p1 s6, s15  }
0x22: {  	s14 =	sand.u32 @!p1 $0x1000, s14;
	s15 =	sadd.s32 @!p1 s16, s15;
	s16 =	simm.s32 @!p1 $0x20  }
0x23: {  	[tilespmem:s14], [sflag:$0x1] =	stream.strided.gather @!p1 [hbm4b:s15+s16], $0x1000, s17, s16, $0x38;
	[tilespmem:$0x4040] =	vst v63  }
0x24: {  	p1 =	sge.u32 s31, s5  }
.Ltmp2:
0x25: {  	_ = 	snop;
	(pc) =	sbr.rel @p1 .LBB1_5-.Ltmp2, $1  }
0x26: {  	_ =	sdelay $0x3  }
0x27: {  	s14 =	simm.s32 $0x1  }
0x28: {  	_ =	swait.ge [sflag:s4], $0x1000;
	s14 =	simm.s32 @!p0 $0x0  }
0x29: {  	[sflag:s4] =	ssyncset.done $0x0;
	s15 =	sshll.u32 s14, $0xC  }
0x2a: {  	[sflag:s4] =	ssyncadd.s32 $0xFFFFF000;
	s18 =	sor.u32 $0x10, s15  }
0x2b: {  	s14 =	smul.u32 $0x4080, s14;
	v1 =	vld [tilespmem:s18+$0x0]  }
0x2c: {  	s30 =	sand.u32 $0x1, s11;
	v0 =	vld [tilespmem:s18+$0xFFFFFFF0]  }
0x2d: {  	s15 =	smul.u32 $0x4080, s30;
	s14 =	sshrl.u32 s14, $0x2  }
0x2e: {  	s16 =	sor.u32 $0x2000, s14  }
0x2f: {  	s31 =	sshrl.u32 s15, $0x2;
	s15 =	sadd.s32 $0x0, s16  }
0x30: {  	s17 =	simm.s32 $0x4;
	s18 =	sadd.s32 $0x20, s18;
	s14 =	sor.u32 $0x2000, s31;
	[tilespmem:s15+$0x810 ss:$0x81] =	vst.msk $0xffff, v1  }
.LBB1_3:
0x31: {  	v1 =	vld [tilespmem:s18+$0x0];
	p1 =	sne.s32 s17, $0x1FC;
	[tilespmem:s15+$0x0 ss:$0x81] =	vst.msk $0xffff, v0;
	s15 =	smov.u32 s17;
	s17 =	sadd.s32 $0x4, s17  }
.Ltmp3:
0x32: {  	v0 =	vld [tilespmem:s18+$0xFFFFFFF0];
	(pc) =	sbr.rel @p1 .LBB1_3-.Ltmp3, $4  }
0x33: {  	_ = 	snop  }
0x34: {  	s15 =	sshra.s32 s15, $0x2  }
0x35: {  	s15 =	sadd.s32 s15, s16  }
0x36: {  	s18 =	sadd.s32 $0x20, s18;
	[tilespmem:s15+$0x810 ss:$0x81] =	vst.msk $0xffff, v1  }
.Ltmp4:
0x37: {  	_ = 	snop;
	(pc) =	sbr.rel .LBB1_4-.Ltmp4, $1  }
0x38: {  	_ =	sdelay $0x3  }
.LBB1_6:
0x39: {  	_ =	sfence.sel $0x180000  }
0x3a: {  	s2 =	simm.s32 $0x1;
	[bflag:$0x0] =	sbarrier.arrive $0xFFFF  }
0x3b: {  	s31 =	simm.s32 $0x2;
	[sflag:s2] =	ssyncpa.u1 $0x1  }
0x3c: {  	[sflag:s31] =	ssyncpa.u1 $0x1  }
0x3d: {  	p0 =	sne.s32 s0, $0x0;
	_ =	strace $0x9000004A  }
0x3e: {  	s0 =	sadd.s32 @!p0 $0x100000, s1;
	[bflag:$0x2] =	sbarrier.arrive $0xFFFF  }
0x3f: {  	[sflag:s0] =	ssyncadd.tile.s32 @!p0 $0x1;
	_ =	shalt  }
.Lfunc_end1:
_tile_overlayer_lowered:
.L_overlay_start_2:
0x40: {  	(tag) =	ssettag $0x2  }
0x41: {  	s0 =	rddreg [dreg:$0x0];
	s2 =	stileid.u32  }
0x42: {  	s1 =	rddreg [dreg:$0x1];
	p0 =	sne.s32 s2, $0x0  }
0x43: {  	s3 =	rddreg [dreg:$0x2];
	[bflag:$0x3] =	sbarrier.arrive $0xFFFF;
	s2 =	simm.s32 @!p0 $0x1C01  }
0x44: {  	[timem:s3], [sflag:s2] =	dma.local @!p0 [hbm:s0], s1  }
0x45: {  	s0 =	simm.s32 @!p0 $0x1  }
0x46: {  	_ =	swait.ge @!p0 [sflag:s0], s1  }
0x47: {  	s1 =	ssub.s32 @!p0 $0x0, s1;
	[sflag:s0] =	ssyncset.done @!p0 $0x0  }
0x48: {  	[sflag:s0] =	ssyncadd.s32 @!p0 s1  }
0x49: {  	[bflag:$0x3] =	sbarrier.arrive $0xFFFF  }
0x4a: {  	_ =	shalt  }

</sc_bundles>
